<compile_context>
chip_gen: v7x
topology: tpu7x:2x2x1
jax: 0.10.2.dev20260603
libtpu: 0.0.44.dev20260713+nightly
codegen_flags: <defaults>
</compile_context>

<pallas_src>
import functools

import jax
import jax.numpy as jnp
from jax import lax
from jax.experimental import pallas as pl
from jax.experimental.pallas import tpu as pltpu
from jax.experimental.pallas import tpu_sc as plsc

_D = 64
_M = 100000
_NC = 2
_NS = 16
_NW = _NC * _NS
_CHUNK = 3200
_SUB = 80
_NSUB = _CHUNK // _SUB


def _sc_loss_partials(nmt_table, i2t_wemb, maps_i2t, maps_nmt):
    mesh = plsc.VectorSubcoreMesh(core_axis_name="c", subcore_axis_name="s")

    @functools.partial(
        pl.kernel,
        mesh=mesh,
        out_type=jax.ShapeDtypeStruct((_NW, 16), jnp.float32),
        compiler_params=pltpu.CompilerParams(use_tc_tiling_on_sc=False),
        scratch_types=[
            pltpu.VMEM((_CHUNK,), jnp.int32),
            pltpu.VMEM((_CHUNK,), jnp.int32),
            pltpu.VMEM((_SUB, _D), jnp.float32),
            pltpu.VMEM((_SUB, _D), jnp.float32),
            pltpu.VMEM((_SUB, _D), jnp.float32),
            pltpu.VMEM((_SUB, _D), jnp.float32),
            pltpu.VMEM((16,), jnp.float32),
            pltpu.SemaphoreType.DMA,
            pltpu.SemaphoreType.DMA,
        ],
    )
    def k(nmt_hbm, wemb_hbm, mi_hbm, mn_hbm, out_hbm,
          idx_n, idx_i, rows_n0, rows_n1, rows_i0, rows_i1, acc_v,
          sem0, sem1):
        wid = lax.axis_index("s") * _NC + lax.axis_index("c")
        base = wid * _CHUNK

        @pl.when(wid < _NW - 1)
        def _():
            pltpu.sync_copy(mn_hbm.at[pl.ds(base, _CHUNK)], idx_n)
            pltpu.sync_copy(mi_hbm.at[pl.ds(base, _CHUNK)], idx_i)

        @pl.when(wid == _NW - 1)
        def _():
            tail = _M - (_NW - 1) * _CHUNK
            pltpu.sync_copy(mn_hbm.at[pl.ds(base, tail)],
                            idx_n.at[pl.ds(0, tail)])
            pltpu.sync_copy(mi_hbm.at[pl.ds(base, tail)],
                            idx_i.at[pl.ds(0, tail)])
        n_valid = jnp.minimum(_NSUB, (_M - base) // _SUB)

        def issue(s, rn, ri, sem):
            off = pl.multiple_of(s * _SUB, 8)
            pltpu.async_copy(nmt_hbm.at[idx_n.at[pl.ds(off, _SUB)]], rn, sem)
            pltpu.async_copy(wemb_hbm.at[idx_i.at[pl.ds(off, _SUB)]], ri, sem)

        def wait_for(s, rn, ri, sem):
            off = pl.multiple_of(s * _SUB, 8)
            pltpu.make_async_copy(
                nmt_hbm.at[idx_n.at[pl.ds(off, _SUB)]], rn, sem).wait()
            pltpu.make_async_copy(
                wemb_hbm.at[idx_i.at[pl.ds(off, _SUB)]], ri, sem).wait()

        def compute(rn, ri, carry):
            def row_body(r, c2):
                b0, b1, b2, b3 = c2
                d0 = rn[r, pl.ds(0, 16)] - ri[r, pl.ds(0, 16)]
                d1 = rn[r, pl.ds(16, 16)] - ri[r, pl.ds(16, 16)]
                d2 = rn[r, pl.ds(32, 16)] - ri[r, pl.ds(32, 16)]
                d3 = rn[r, pl.ds(48, 16)] - ri[r, pl.ds(48, 16)]
                return (b0 + d0 * d0, b1 + d1 * d1,
                        b2 + d2 * d2, b3 + d3 * d3)

            return lax.fori_loop(0, _SUB, row_body, carry, unroll=4)

        issue(0, rows_n0, rows_i0, sem0)

        def pair_body(h, carry):
            s = 2 * h
            issue(s + 1, rows_n1, rows_i1, sem1)
            wait_for(s, rows_n0, rows_i0, sem0)
            carry = compute(rows_n0, rows_i0, carry)

            @pl.when(s + 2 < n_valid)
            def _():
                issue(s + 2, rows_n0, rows_i0, sem0)

            wait_for(s + 1, rows_n1, rows_i1, sem1)
            return compute(rows_n1, rows_i1, carry)

        z = jnp.zeros((16,), jnp.float32)
        a0, a1, a2, a3 = lax.fori_loop(0, n_valid // 2, pair_body,
                                       (z, z, z, z))
        acc_v[...] = (a0 + a1) + (a2 + a3)
        pltpu.sync_copy(acc_v, out_hbm.at[wid])

    return k(nmt_table, i2t_wemb, maps_i2t, maps_nmt)


def kernel(nmt_table, i2t_wemb, maps_i2t, maps_nmt):
    partials = _sc_loss_partials(nmt_table, i2t_wemb, maps_i2t, maps_nmt)
    return jnp.sum(partials) / (_M * _D)

# --- scband reference (transcript-rebuilt; emitter-appended) ---
"""Pipeline reference for scband-weight-trans-x-13907104105168 (READ-ONLY COPY).

The authoritative reference and input builder live on the scoring server;
editing this copy changes nothing except your own understanding.
"""

import jax, jax.numpy as jnp
import numpy as np

V = 100000
D = 64
M = 100000

def setup_inputs(seed: int = 0) -> dict:
    key = jax.random.key(seed)
    k1, k2, k3, k4 = jax.random.split(key, 4)
    nmt_table = jax.random.normal(k1, (V, D), dtype=jnp.float32) * 0.02
    i2t_wemb = jax.random.normal(k2, (V, D), dtype=jnp.float32) * 0.02
    maps_i2t = jax.random.randint(k3, (M,), 0, V, dtype=jnp.int32)
    maps_nmt = jax.random.randint(k4, (M,), 0, V, dtype=jnp.int32)
    return {"nmt_table": nmt_table, "i2t_wemb": i2t_wemb, "maps_i2t": maps_i2t, "maps_nmt": maps_nmt}

def reference(nmt_table, i2t_wemb, maps_i2t, maps_nmt):
    # _pivot_wemb_i2t = i2t_wemb_weights[maps[:,0]] (frozen target)
    tgt = jnp.take(i2t_wemb, maps_i2t, axis=0)
    # _pivot_wemb_nmt = pivot_wemb_nmt(maps[:,1]) (embedding lookup)
    pred = jnp.take(nmt_table, maps_nmt, axis=0)
    # mse_loss: mean((input - target)**2)
    loss_0 = jnp.mean((pred - tgt) ** 2)
    return loss_0

if __name__ == "__main__":
    import jax
    _d = setup_inputs()
    print(jax.jit(kernel)(*tuple(_d.values())))

</pallas_src>

<mosaic_0001>
#map = affine_map<(d0, d1) -> (0, 0)>
#map1 = affine_map<(d0, d1) -> (0)>
module attributes {stable_mosaic.version = 14 : i64} {
  func.func @k(%arg0: i32, %arg1: i32, %arg2: memref<100000x64xf32, #tpu.memory_space<hbm>>, %arg3: memref<100000x64xf32, #tpu.memory_space<hbm>>, %arg4: memref<100000xi32, #tpu.memory_space<hbm>>, %arg5: memref<100000xi32, #tpu.memory_space<hbm>>, %arg6: memref<32x16xf32, #tpu.memory_space<hbm>>, %arg7: memref<3200xi32, #tpu.memory_space<vmem>>, %arg8: memref<3200xi32, #tpu.memory_space<vmem>>, %arg9: memref<80x64xf32, #tpu.memory_space<vmem>>, %arg10: memref<80x64xf32, #tpu.memory_space<vmem>>, %arg11: memref<80x64xf32, #tpu.memory_space<vmem>>, %arg12: memref<80x64xf32, #tpu.memory_space<vmem>>, %arg13: memref<16xf32, #tpu.memory_space<vmem>>, %arg14: memref<!tpu.dma_semaphore, #tpu.memory_space<semaphore_mem>>, %arg15: memref<!tpu.dma_semaphore, #tpu.memory_space<semaphore_mem>>) attributes {dimension_semantics = [#tpu.dimension_semantics<core_parallel>, #tpu.dimension_semantics<subcore_parallel>], iteration_bounds = array<i64: 2, 16>, scalar_prefetch = 0 : i64, scratch_operands = 9 : i64, tpu.core_type = #tpu.core_type<sc_vector_subcore>, window_params = [{transform_indices = #map}, {transform_indices = #map}, {transform_indices = #map1}, {transform_indices = #map1}, {transform_indices = #map}]} {
    %mul3A = arith.constant 2 : i32
    %mul3A_0 = arith.muli %arg1, %mul3A : i32
    %add3A = arith.addi %mul3A_0, %arg0 : i32
    %mul3A_1 = arith.constant 3200 : i32
    %mul3A_2 = arith.muli %add3A, %mul3A_1 : i32
    %lt3A = arith.constant 31 : i32
    %lt3A_3 = arith.cmpi slt, %add3A, %lt3A : i32
    %convert_element_type3A = arith.extui %lt3A_3 : i1 to i32
    %cond3A = arith.constant 0 : i32
    %cond3A_4 = arith.cmpi ne, %convert_element_type3A, %cond3A : i32
    scf.if %cond3A_4 {
      "tpu.region"() ({
        %run_scoped3A = tpu.sem_alloc : memref<!tpu.dma_semaphore, #tpu.memory_space<semaphore_mem>>
        %dma_start3A_77 = tpu.memref_slice %arg5[%mul3A_2] : memref<100000xi32, #tpu.memory_space<hbm>> -> memref<3200xi32, #tpu.memory_space<hbm>>
        %dma_start3A_78 = tpu.memref_slice %arg5[%mul3A_2] : memref<100000xi32, #tpu.memory_space<hbm>> -> memref<3200xi32, #tpu.memory_space<hbm>>
        tpu.enqueue_dma source(%dma_start3A_78 : memref<3200xi32, #tpu.memory_space<hbm>>) target(%arg7 : memref<3200xi32, #tpu.memory_space<vmem>>) target_semaphore(%run_scoped3A : memref<!tpu.dma_semaphore, #tpu.memory_space<semaphore_mem>>)
        %dma_wait3A = tpu.memref_slice %arg5[%mul3A_2] : memref<100000xi32, #tpu.memory_space<hbm>> -> memref<3200xi32, #tpu.memory_space<hbm>>
        %dma_wait3A_79 = tpu.memref_slice %arg5[%mul3A_2] : memref<100000xi32, #tpu.memory_space<hbm>> -> memref<3200xi32, #tpu.memory_space<hbm>>
        tpu.wait_dma2 semaphore(%run_scoped3A : memref<!tpu.dma_semaphore, #tpu.memory_space<semaphore_mem>>) src(%dma_wait3A_79 : memref<3200xi32, #tpu.memory_space<hbm>>) dst(%arg7 : memref<3200xi32, #tpu.memory_space<vmem>>)
        tpu.yield
      }) : () -> ()
      "tpu.region"() ({
        %run_scoped3A = tpu.sem_alloc : memref<!tpu.dma_semaphore, #tpu.memory_space<semaphore_mem>>
        %dma_start3A_77 = tpu.memref_slice %arg4[%mul3A_2] : memref<100000xi32, #tpu.memory_space<hbm>> -> memref<3200xi32, #tpu.memory_space<hbm>>
        %dma_start3A_78 = tpu.memref_slice %arg4[%mul3A_2] : memref<100000xi32, #tpu.memory_space<hbm>> -> memref<3200xi32, #tpu.memory_space<hbm>>
        tpu.enqueue_dma source(%dma_start3A_78 : memref<3200xi32, #tpu.memory_space<hbm>>) target(%arg8 : memref<3200xi32, #tpu.memory_space<vmem>>) target_semaphore(%run_scoped3A : memref<!tpu.dma_semaphore, #tpu.memory_space<semaphore_mem>>)
        %dma_wait3A = tpu.memref_slice %arg4[%mul3A_2] : memref<100000xi32, #tpu.memory_space<hbm>> -> memref<3200xi32, #tpu.memory_space<hbm>>
        %dma_wait3A_79 = tpu.memref_slice %arg4[%mul3A_2] : memref<100000xi32, #tpu.memory_space<hbm>> -> memref<3200xi32, #tpu.memory_space<hbm>>
        tpu.wait_dma2 semaphore(%run_scoped3A : memref<!tpu.dma_semaphore, #tpu.memory_space<semaphore_mem>>) src(%dma_wait3A_79 : memref<3200xi32, #tpu.memory_space<hbm>>) dst(%arg8 : memref<3200xi32, #tpu.memory_space<vmem>>)
        tpu.yield
      }) : () -> ()
    } else {
    }
    %eq3A = arith.constant 31 : i32
    %eq3A_5 = arith.cmpi eq, %add3A, %eq3A : i32
    %convert_element_type3A_6 = arith.extui %eq3A_5 : i1 to i32
    %cond3A_7 = arith.constant 0 : i32
    %cond3A_8 = arith.cmpi ne, %convert_element_type3A_6, %cond3A_7 : i32
    scf.if %cond3A_8 {
      "tpu.region"() ({
        %run_scoped3A = tpu.sem_alloc : memref<!tpu.dma_semaphore, #tpu.memory_space<semaphore_mem>>
        %dma_start3A_77 = arith.constant 0 : i32
        %dma_start3A_78 = tpu.memref_slice %arg7[%dma_start3A_77] : memref<3200xi32, #tpu.memory_space<vmem>> -> memref<800xi32, #tpu.memory_space<vmem>>
        %dma_start3A_79 = tpu.memref_slice %arg5[%mul3A_2] : memref<100000xi32, #tpu.memory_space<hbm>> -> memref<800xi32, #tpu.memory_space<hbm>>
        %dma_start3A_80 = arith.constant 0 : i32
        %dma_start3A_81 = tpu.memref_slice %arg7[%dma_start3A_80] : memref<3200xi32, #tpu.memory_space<vmem>> -> memref<800xi32, #tpu.memory_space<vmem>>
        %dma_start3A_82 = tpu.memref_slice %arg5[%mul3A_2] : memref<100000xi32, #tpu.memory_space<hbm>> -> memref<800xi32, #tpu.memory_space<hbm>>
        tpu.enqueue_dma source(%dma_start3A_82 : memref<800xi32, #tpu.memory_space<hbm>>) target(%dma_start3A_81 : memref<800xi32, #tpu.memory_space<vmem>>) target_semaphore(%run_scoped3A : memref<!tpu.dma_semaphore, #tpu.memory_space<semaphore_mem>>)
        %dma_wait3A = arith.constant 0 : i32
        %dma_wait3A_83 = tpu.memref_slice %arg7[%dma_wait3A] : memref<3200xi32, #tpu.memory_space<vmem>> -> memref<800xi32, #tpu.memory_space<vmem>>
        %dma_wait3A_84 = tpu.memref_slice %arg5[%mul3A_2] : memref<100000xi32, #tpu.memory_space<hbm>> -> memref<800xi32, #tpu.memory_space<hbm>>
        %dma_wait3A_85 = arith.constant 0 : i32
        %dma_wait3A_86 = tpu.memref_slice %arg7[%dma_wait3A_85] : memref<3200xi32, #tpu.memory_space<vmem>> -> memref<800xi32, #tpu.memory_space<vmem>>
        %dma_wait3A_87 = tpu.memref_slice %arg5[%mul3A_2] : memref<100000xi32, #tpu.memory_space<hbm>> -> memref<800xi32, #tpu.memory_space<hbm>>
        tpu.wait_dma2 semaphore(%run_scoped3A : memref<!tpu.dma_semaphore, #tpu.memory_space<semaphore_mem>>) src(%dma_wait3A_87 : memref<800xi32, #tpu.memory_space<hbm>>) dst(%dma_wait3A_86 : memref<800xi32, #tpu.memory_space<vmem>>)
        tpu.yield
      }) : () -> ()
      "tpu.region"() ({
        %run_scoped3A = tpu.sem_alloc : memref<!tpu.dma_semaphore, #tpu.memory_space<semaphore_mem>>
        %dma_start3A_77 = arith.constant 0 : i32
        %dma_start3A_78 = tpu.memref_slice %arg8[%dma_start3A_77] : memref<3200xi32, #tpu.memory_space<vmem>> -> memref<800xi32, #tpu.memory_space<vmem>>
        %dma_start3A_79 = tpu.memref_slice %arg4[%mul3A_2] : memref<100000xi32, #tpu.memory_space<hbm>> -> memref<800xi32, #tpu.memory_space<hbm>>
        %dma_start3A_80 = arith.constant 0 : i32
        %dma_start3A_81 = tpu.memref_slice %arg8[%dma_start3A_80] : memref<3200xi32, #tpu.memory_space<vmem>> -> memref<800xi32, #tpu.memory_space<vmem>>
        %dma_start3A_82 = tpu.memref_slice %arg4[%mul3A_2] : memref<100000xi32, #tpu.memory_space<hbm>> -> memref<800xi32, #tpu.memory_space<hbm>>
        tpu.enqueue_dma source(%dma_start3A_82 : memref<800xi32, #tpu.memory_space<hbm>>) target(%dma_start3A_81 : memref<800xi32, #tpu.memory_space<vmem>>) target_semaphore(%run_scoped3A : memref<!tpu.dma_semaphore, #tpu.memory_space<semaphore_mem>>)
        %dma_wait3A = arith.constant 0 : i32
        %dma_wait3A_83 = tpu.memref_slice %arg8[%dma_wait3A] : memref<3200xi32, #tpu.memory_space<vmem>> -> memref<800xi32, #tpu.memory_space<vmem>>
        %dma_wait3A_84 = tpu.memref_slice %arg4[%mul3A_2] : memref<100000xi32, #tpu.memory_space<hbm>> -> memref<800xi32, #tpu.memory_space<hbm>>
        %dma_wait3A_85 = arith.constant 0 : i32
        %dma_wait3A_86 = tpu.memref_slice %arg8[%dma_wait3A_85] : memref<3200xi32, #tpu.memory_space<vmem>> -> memref<800xi32, #tpu.memory_space<vmem>>
        %dma_wait3A_87 = tpu.memref_slice %arg4[%mul3A_2] : memref<100000xi32, #tpu.memory_space<hbm>> -> memref<800xi32, #tpu.memory_space<hbm>>
        tpu.wait_dma2 semaphore(%run_scoped3A : memref<!tpu.dma_semaphore, #tpu.memory_space<semaphore_mem>>) src(%dma_wait3A_87 : memref<800xi32, #tpu.memory_space<hbm>>) dst(%dma_wait3A_86 : memref<800xi32, #tpu.memory_space<vmem>>)
        tpu.yield
      }) : () -> ()
    } else {
    }
    %sub3A = arith.constant 100000 : i32
    %sub3A_9 = arith.subi %sub3A, %mul3A_2 : i32
    %jit3A = arith.constant 80 : i32
    %div3A = arith.divsi %sub3A_9, %jit3A : i32
    %sign3A = arith.constant 0 : i32
    %sign3A_10 = arith.cmpi sgt, %sub3A_9, %sign3A : i32
    %sign3A_11 = arith.extui %sign3A_10 : i1 to i32
    %sign3A_12 = arith.constant 0 : i32
    %sign3A_13 = arith.cmpi slt, %sub3A_9, %sign3A_12 : i32
    %sign3A_14 = arith.extui %sign3A_13 : i1 to i32
    %sign3A_15 = arith.subi %sign3A_11, %sign3A_14 : i32
    %sign3A_16 = arith.constant 0 : i32
    %sign3A_17 = arith.cmpi sgt, %jit3A, %sign3A_16 : i32
    %sign3A_18 = arith.extui %sign3A_17 : i1 to i32
    %sign3A_19 = arith.constant 0 : i32
    %sign3A_20 = arith.cmpi slt, %jit3A, %sign3A_19 : i32
    %sign3A_21 = arith.extui %sign3A_20 : i1 to i32
    %sign3A_22 = arith.subi %sign3A_18, %sign3A_21 : i32
    %ne3A = arith.cmpi ne, %sign3A_15, %sign3A_22 : i32
    %rem3A = arith.remsi %sub3A_9, %jit3A : i32
    %ne3A_23 = arith.constant 0 : i32
    %ne3A_24 = arith.cmpi ne, %rem3A, %ne3A_23 : i32
    %and3A = arith.andi %ne3A, %ne3A_24 : i1
    %sub3A_25 = arith.constant 1 : i32
    %sub3A_26 = arith.subi %div3A, %sub3A_25 : i32
    %select_n3A = arith.select %and3A, %sub3A_26, %div3A : i32
    %min3A = arith.constant 40 : i32
    %min3A_27 = arith.minsi %min3A, %select_n3A : i32
    %multiple_of3A = arith.constant 0 : i32
    %multiple_of3A_28 = tpu.assume_multiple %multiple_of3A, 8 : i32
    %dma_start3A = tpu.memref_slice %arg7[%multiple_of3A_28] : memref<3200xi32, #tpu.memory_space<vmem>> -> memref<80xi32, #tpu.memory_space<vmem>>
    %dma_start3A_29 = arith.constant 0 : i32
    %dma_start3A_30 = arith.constant 0 : i32
    %dma_start3A_31 = tpu.memref_slice %arg2[%dma_start3A_29, %dma_start3A_30] : memref<100000x64xf32, #tpu.memory_space<hbm>> -> memref<100000x64xf32, #tpu.memory_space<hbm>>
    tpu.enqueue_indirect_dma source(%dma_start3A_31 : memref<100000x64xf32, #tpu.memory_space<hbm>>) target(%arg9 : memref<80x64xf32, #tpu.memory_space<vmem>>) offsets(%dma_start3A : memref<80xi32, #tpu.memory_space<vmem>>) semaphore(%arg14 : memref<!tpu.dma_semaphore, #tpu.memory_space<semaphore_mem>>)
    %dma_start3A_32 = tpu.memref_slice %arg8[%multiple_of3A_28] : memref<3200xi32, #tpu.memory_space<vmem>> -> memref<80xi32, #tpu.memory_space<vmem>>
    %dma_start3A_33 = arith.constant 0 : i32
    %dma_start3A_34 = arith.constant 0 : i32
    %dma_start3A_35 = tpu.memref_slice %arg3[%dma_start3A_33, %dma_start3A_34] : memref<100000x64xf32, #tpu.memory_space<hbm>> -> memref<100000x64xf32, #tpu.memory_space<hbm>>
    tpu.enqueue_indirect_dma source(%dma_start3A_35 : memref<100000x64xf32, #tpu.memory_space<hbm>>) target(%arg11 : memref<80x64xf32, #tpu.memory_space<vmem>>) offsets(%dma_start3A_32 : memref<80xi32, #tpu.memory_space<vmem>>) semaphore(%arg14 : memref<!tpu.dma_semaphore, #tpu.memory_space<semaphore_mem>>)
    %broadcast_in_dim3A = arith.constant 0.000000e+00 : f32
    %broadcast_in_dim3A_36 = vector.broadcast %broadcast_in_dim3A : f32 to vector<16xf32>
    %jit3A_37 = arith.constant 2 : i32
    %div3A_38 = arith.divsi %min3A_27, %jit3A_37 : i32
    %sign3A_39 = arith.constant 0 : i32
    %sign3A_40 = arith.cmpi sgt, %min3A_27, %sign3A_39 : i32
    %sign3A_41 = arith.extui %sign3A_40 : i1 to i32
    %sign3A_42 = arith.constant 0 : i32
    %sign3A_43 = arith.cmpi slt, %min3A_27, %sign3A_42 : i32
    %sign3A_44 = arith.extui %sign3A_43 : i1 to i32
    %sign3A_45 = arith.subi %sign3A_41, %sign3A_44 : i32
    %sign3A_46 = arith.constant 0 : i32
    %sign3A_47 = arith.cmpi sgt, %jit3A_37, %sign3A_46 : i32
    %sign3A_48 = arith.extui %sign3A_47 : i1 to i32
    %sign3A_49 = arith.constant 0 : i32
    %sign3A_50 = arith.cmpi slt, %jit3A_37, %sign3A_49 : i32
    %sign3A_51 = arith.extui %sign3A_50 : i1 to i32
    %sign3A_52 = arith.subi %sign3A_48, %sign3A_51 : i32
    %ne3A_53 = arith.cmpi ne, %sign3A_45, %sign3A_52 : i32
    %rem3A_54 = arith.remsi %min3A_27, %jit3A_37 : i32
    %ne3A_55 = arith.constant 0 : i32
    %ne3A_56 = arith.cmpi ne, %rem3A_54, %ne3A_55 : i32
    %and3A_57 = arith.andi %ne3A_53, %ne3A_56 : i1
    %sub3A_58 = arith.constant 1 : i32
    %sub3A_59 = arith.subi %div3A_38, %sub3A_58 : i32
    %select_n3A_60 = arith.select %and3A_57, %sub3A_59, %div3A_38 : i32
    %while3A = arith.constant 0 : i32
    %while3A_61 = arith.subi %select_n3A_60, %while3A : i32
    %while3A_62 = arith.addi %while3A, %while3A_61 : i32
    %while3A_63 = arith.constant 1 : i32
    %while3A_64 = arith.divsi %while3A_61, %while3A_63 : i32
    %while3A_65 = arith.muli %while3A_64, %while3A_63 : i32
    %while3A_66 = arith.addi %while3A, %while3A_65 : i32
    %while3A_67 = arith.constant 1 : i32
    %while3A_68:4 = scf.for %while3A_77 = %while3A to %while3A_66 step %while3A_67 iter_args(%while3A_78 = %broadcast_in_dim3A_36, %while3A_79 = %broadcast_in_dim3A_36, %while3A_80 = %broadcast_in_dim3A_36, %while3A_81 = %broadcast_in_dim3A_36) -> (vector<16xf32>, vector<16xf32>, vector<16xf32>, vector<16xf32>)  : i32 {
      %mul3A_82 = arith.constant 2 : i32
      %mul3A_83 = arith.muli %mul3A_82, %while3A_77 : i32
      %add3A_84 = arith.constant 1 : i32
      %add3A_85 = arith.addi %mul3A_83, %add3A_84 : i32
      %mul3A_86 = arith.constant 80 : i32
      %mul3A_87 = arith.muli %add3A_85, %mul3A_86 : i32
      %multiple_of3A_88 = tpu.assume_multiple %mul3A_87, 8 : i32
      %dma_start3A_89 = tpu.memref_slice %arg7[%multiple_of3A_88] : memref<3200xi32, #tpu.memory_space<vmem>> -> memref<80xi32, #tpu.memory_space<vmem>>
      %dma_start3A_90 = arith.constant 0 : i32
      %dma_start3A_91 = arith.constant 0 : i32
      %dma_start3A_92 = tpu.memref_slice %arg2[%dma_start3A_90, %dma_start3A_91] : memref<100000x64xf32, #tpu.memory_space<hbm>> -> memref<100000x64xf32, #tpu.memory_space<hbm>>
      tpu.enqueue_indirect_dma source(%dma_start3A_92 : memref<100000x64xf32, #tpu.memory_space<hbm>>) target(%arg10 : memref<80x64xf32, #tpu.memory_space<vmem>>) offsets(%dma_start3A_89 : memref<80xi32, #tpu.memory_space<vmem>>) semaphore(%arg15 : memref<!tpu.dma_semaphore, #tpu.memory_space<semaphore_mem>>)
      %dma_start3A_93 = tpu.memref_slice %arg8[%multiple_of3A_88] : memref<3200xi32, #tpu.memory_space<vmem>> -> memref<80xi32, #tpu.memory_space<vmem>>
      %dma_start3A_94 = arith.constant 0 : i32
      %dma_start3A_95 = arith.constant 0 : i32
      %dma_start3A_96 = tpu.memref_slice %arg3[%dma_start3A_94, %dma_start3A_95] : memref<100000x64xf32, #tpu.memory_space<hbm>> -> memref<100000x64xf32, #tpu.memory_space<hbm>>
      tpu.enqueue_indirect_dma source(%dma_start3A_96 : memref<100000x64xf32, #tpu.memory_space<hbm>>) target(%arg12 : memref<80x64xf32, #tpu.memory_space<vmem>>) offsets(%dma_start3A_93 : memref<80xi32, #tpu.memory_space<vmem>>) semaphore(%arg15 : memref<!tpu.dma_semaphore, #tpu.memory_space<semaphore_mem>>)
      %mul3A_97 = arith.constant 80 : i32
      %mul3A_98 = arith.muli %mul3A_83, %mul3A_97 : i32
      %multiple_of3A_99 = tpu.assume_multiple %mul3A_98, 8 : i32
      %dma_wait3A = tpu.memref_slice %arg7[%multiple_of3A_99] : memref<3200xi32, #tpu.memory_space<vmem>> -> memref<80xi32, #tpu.memory_space<vmem>>
      %dma_wait3A_100 = arith.constant 0 : i32
      %dma_wait3A_101 = arith.constant 0 : i32
      %dma_wait3A_102 = tpu.memref_slice %arg2[%dma_wait3A_100, %dma_wait3A_101] : memref<100000x64xf32, #tpu.memory_space<hbm>> -> memref<100000x64xf32, #tpu.memory_space<hbm>>
      tpu.wait_indirect_dma semaphore(%arg14 : memref<!tpu.dma_semaphore, #tpu.memory_space<semaphore_mem>>) src(%dma_wait3A_102 : memref<100000x64xf32, #tpu.memory_space<hbm>>) dst(%arg9 : memref<80x64xf32, #tpu.memory_space<vmem>>)
      %dma_wait3A_103 = tpu.memref_slice %arg8[%multiple_of3A_99] : memref<3200xi32, #tpu.memory_space<vmem>> -> memref<80xi32, #tpu.memory_space<vmem>>
      %dma_wait3A_104 = arith.constant 0 : i32
      %dma_wait3A_105 = arith.constant 0 : i32
      %dma_wait3A_106 = tpu.memref_slice %arg3[%dma_wait3A_104, %dma_wait3A_105] : memref<100000x64xf32, #tpu.memory_space<hbm>> -> memref<100000x64xf32, #tpu.memory_space<hbm>>
      tpu.wait_indirect_dma semaphore(%arg14 : memref<!tpu.dma_semaphore, #tpu.memory_space<semaphore_mem>>) src(%dma_wait3A_106 : memref<100000x64xf32, #tpu.memory_space<hbm>>) dst(%arg11 : memref<80x64xf32, #tpu.memory_space<vmem>>)
      %scan3A = arith.constant 0 : i32
      %scan3A_107 = arith.constant 80 : i32
      %scan3A_108 = arith.addi %scan3A, %scan3A_107 : i32
      %scan3A_109 = arith.constant 4 : i32
      %scan3A_110:4 = scf.for %scan3A_137 = %scan3A to %scan3A_108 step %scan3A_109 iter_args(%scan3A_138 = %while3A_78, %scan3A_139 = %while3A_79, %scan3A_140 = %while3A_80, %scan3A_141 = %while3A_81) -> (vector<16xf32>, vector<16xf32>, vector<16xf32>, vector<16xf32>)  : i32 {
        %get3A = arith.index_cast %scan3A_137 : i32 to index
        %get3A_142 = arith.constant 0 : index
        %get3A_143 = tpu.vector_load %arg9[%get3A, %get3A_142] {strides = array<i32>} : memref<80x64xf32, #tpu.memory_space<vmem>>, vector<1x16xf32>,
        %get3A_144 = vector.shape_cast %get3A_143 : vector<1x16xf32> to vector<16xf32>
        %get3A_145 = arith.index_cast %scan3A_137 : i32 to index
        %get3A_146 = arith.constant 0 : index
        %get3A_147 = tpu.vector_load %arg11[%get3A_145, %get3A_146] {strides = array<i32>} : memref<80x64xf32, #tpu.memory_space<vmem>>, vector<1x16xf32>,
        %get3A_148 = vector.shape_cast %get3A_147 : vector<1x16xf32> to vector<16xf32>
        %sub3A_149 = arith.subf %get3A_144, %get3A_148 : vector<16xf32>
        %get3A_150 = arith.index_cast %scan3A_137 : i32 to index
        %get3A_151 = arith.constant 16 : index
        %get3A_152 = tpu.vector_load %arg9[%get3A_150, %get3A_151] {strides = array<i32>} : memref<80x64xf32, #tpu.memory_space<vmem>>, vector<1x16xf32>,
        %get3A_153 = vector.shape_cast %get3A_152 : vector<1x16xf32> to vector<16xf32>
        %get3A_154 = arith.index_cast %scan3A_137 : i32 to index
        %get3A_155 = arith.constant 16 : index
        %get3A_156 = tpu.vector_load %arg11[%get3A_154, %get3A_155] {strides = array<i32>} : memref<80x64xf32, #tpu.memory_space<vmem>>, vector<1x16xf32>,
        %get3A_157 = vector.shape_cast %get3A_156 : vector<1x16xf32> to vector<16xf32>
        %sub3A_158 = arith.subf %get3A_153, %get3A_157 : vector<16xf32>
        %get3A_159 = arith.index_cast %scan3A_137 : i32 to index
        %get3A_160 = arith.constant 32 : index
        %get3A_161 = tpu.vector_load %arg9[%get3A_159, %get3A_160] {strides = array<i32>} : memref<80x64xf32, #tpu.memory_space<vmem>>, vector<1x16xf32>,
        %get3A_162 = vector.shape_cast %get3A_161 : vector<1x16xf32> to vector<16xf32>
        %get3A_163 = arith.index_cast %scan3A_137 : i32 to index
        %get3A_164 = arith.constant 32 : index
        %get3A_165 = tpu.vector_load %arg11[%get3A_163, %get3A_164] {strides = array<i32>} : memref<80x64xf32, #tpu.memory_space<vmem>>, vector<1x16xf32>,
        %get3A_166 = vector.shape_cast %get3A_165 : vector<1x16xf32> to vector<16xf32>
        %sub3A_167 = arith.subf %get3A_162, %get3A_166 : vector<16xf32>
        %get3A_168 = arith.index_cast %scan3A_137 : i32 to index
        %get3A_169 = arith.constant 48 : index
        %get3A_170 = tpu.vector_load %arg9[%get3A_168, %get3A_169] {strides = array<i32>} : memref<80x64xf32, #tpu.memory_space<vmem>>, vector<1x16xf32>,
        %get3A_171 = vector.shape_cast %get3A_170 : vector<1x16xf32> to vector<16xf32>
        %get3A_172 = arith.index_cast %scan3A_137 : i32 to index
        %get3A_173 = arith.constant 48 : index
        %get3A_174 = tpu.vector_load %arg11[%get3A_172, %get3A_173] {strides = array<i32>} : memref<80x64xf32, #tpu.memory_space<vmem>>, vector<1x16xf32>,
        %get3A_175 = vector.shape_cast %get3A_174 : vector<1x16xf32> to vector<16xf32>
        %sub3A_176 = arith.subf %get3A_171, %get3A_175 : vector<16xf32>
        %mul3A_177 = arith.mulf %sub3A_149, %sub3A_149 : vector<16xf32>
        %add3A_178 = arith.addf %scan3A_138, %mul3A_177 : vector<16xf32>
        %mul3A_179 = arith.mulf %sub3A_158, %sub3A_158 : vector<16xf32>
        %add3A_180 = arith.addf %scan3A_139, %mul3A_179 : vector<16xf32>
        %mul3A_181 = arith.mulf %sub3A_167, %sub3A_167 : vector<16xf32>
        %add3A_182 = arith.addf %scan3A_140, %mul3A_181 : vector<16xf32>
        %mul3A_183 = arith.mulf %sub3A_176, %sub3A_176 : vector<16xf32>
        %add3A_184 = arith.addf %scan3A_141, %mul3A_183 : vector<16xf32>
        %scan3A_185 = arith.constant 1 : i32
        %scan3A_186 = arith.addi %scan3A_137, %scan3A_185 : i32
        %get3A_187 = arith.index_cast %scan3A_186 : i32 to index
        %get3A_188 = arith.constant 0 : index
        %get3A_189 = tpu.vector_load %arg9[%get3A_187, %get3A_188] {strides = array<i32>} : memref<80x64xf32, #tpu.memory_space<vmem>>, vector<1x16xf32>,
        %get3A_190 = vector.shape_cast %get3A_189 : vector<1x16xf32> to vector<16xf32>
        %get3A_191 = arith.index_cast %scan3A_186 : i32 to index
        %get3A_192 = arith.constant 0 : index
        %get3A_193 = tpu.vector_load %arg11[%get3A_191, %get3A_192] {strides = array<i32>} : memref<80x64xf32, #tpu.memory_space<vmem>>, vector<1x16xf32>,
        %get3A_194 = vector.shape_cast %get3A_193 : vector<1x16xf32> to vector<16xf32>
        %sub3A_195 = arith.subf %get3A_190, %get3A_194 : vector<16xf32>
        %get3A_196 = arith.index_cast %scan3A_186 : i32 to index
        %get3A_197 = arith.constant 16 : index
        %get3A_198 = tpu.vector_load %arg9[%get3A_196, %get3A_197] {strides = array<i32>} : memref<80x64xf32, #tpu.memory_space<vmem>>, vector<1x16xf32>,
        %get3A_199 = vector.shape_cast %get3A_198 : vector<1x16xf32> to vector<16xf32>
        %get3A_200 = arith.index_cast %scan3A_186 : i32 to index
        %get3A_201 = arith.constant 16 : index
        %get3A_202 = tpu.vector_load %arg11[%get3A_200, %get3A_201] {strides = array<i32>} : memref<80x64xf32, #tpu.memory_space<vmem>>, vector<1x16xf32>,
        %get3A_203 = vector.shape_cast %get3A_202 : vector<1x16xf32> to vector<16xf32>
        %sub3A_204 = arith.subf %get3A_199, %get3A_203 : vector<16xf32>
        %get3A_205 = arith.index_cast %scan3A_186 : i32 to index
        %get3A_206 = arith.constant 32 : index
        %get3A_207 = tpu.vector_load %arg9[%get3A_205, %get3A_206] {strides = array<i32>} : memref<80x64xf32, #tpu.memory_space<vmem>>, vector<1x16xf32>,
        %get3A_208 = vector.shape_cast %get3A_207 : vector<1x16xf32> to vector<16xf32>
        %get3A_209 = arith.index_cast %scan3A_186 : i32 to index
        %get3A_210 = arith.constant 32 : index
        %get3A_211 = tpu.vector_load %arg11[%get3A_209, %get3A_210] {strides = array<i32>} : memref<80x64xf32, #tpu.memory_space<vmem>>, vector<1x16xf32>,
        %get3A_212 = vector.shape_cast %get3A_211 : vector<1x16xf32> to vector<16xf32>
        %sub3A_213 = arith.subf %get3A_208, %get3A_212 : vector<16xf32>
        %get3A_214 = arith.index_cast %scan3A_186 : i32 to index
        %get3A_215 = arith.constant 48 : index
        %get3A_216 = tpu.vector_load %arg9[%get3A_214, %get3A_215] {strides = array<i32>} : memref<80x64xf32, #tpu.memory_space<vmem>>, vector<1x16xf32>,
        %get3A_217 = vector.shape_cast %get3A_216 : vector<1x16xf32> to vector<16xf32>
        %get3A_218 = arith.index_cast %scan3A_186 : i32 to index
        %get3A_219 = arith.constant 48 : index
        %get3A_220 = tpu.vector_load %arg11[%get3A_218, %get3A_219] {strides = array<i32>} : memref<80x64xf32, #tpu.memory_space<vmem>>, vector<1x16xf32>,
        %get3A_221 = vector.shape_cast %get3A_220 : vector<1x16xf32> to vector<16xf32>
        %sub3A_222 = arith.subf %get3A_217, %get3A_221 : vector<16xf32>
        %mul3A_223 = arith.mulf %sub3A_195, %sub3A_195 : vector<16xf32>
        %add3A_224 = arith.addf %add3A_178, %mul3A_223 : vector<16xf32>
        %mul3A_225 = arith.mulf %sub3A_204, %sub3A_204 : vector<16xf32>
        %add3A_226 = arith.addf %add3A_180, %mul3A_225 : vector<16xf32>
        %mul3A_227 = arith.mulf %sub3A_213, %sub3A_213 : vector<16xf32>
        %add3A_228 = arith.addf %add3A_182, %mul3A_227 : vector<16xf32>
        %mul3A_229 = arith.mulf %sub3A_222, %sub3A_222 : vector<16xf32>
        %add3A_230 = arith.addf %add3A_184, %mul3A_229 : vector<16xf32>
        %scan3A_231 = arith.constant 2 : i32
        %scan3A_232 = arith.addi %scan3A_137, %scan3A_231 : i32
        %get3A_233 = arith.index_cast %scan3A_232 : i32 to index
        %get3A_234 = arith.constant 0 : index
        %get3A_235 = tpu.vector_load %arg9[%get3A_233, %get3A_234] {strides = array<i32>} : memref<80x64xf32, #tpu.memory_space<vmem>>, vector<1x16xf32>,
        %get3A_236 = vector.shape_cast %get3A_235 : vector<1x16xf32> to vector<16xf32>
        %get3A_237 = arith.index_cast %scan3A_232 : i32 to index
        %get3A_238 = arith.constant 0 : index
        %get3A_239 = tpu.vector_load %arg11[%get3A_237, %get3A_238] {strides = array<i32>} : memref<80x64xf32, #tpu.memory_space<vmem>>, vector<1x16xf32>,
        %get3A_240 = vector.shape_cast %get3A_239 : vector<1x16xf32> to vector<16xf32>
        %sub3A_241 = arith.subf %get3A_236, %get3A_240 : vector<16xf32>
        %get3A_242 = arith.index_cast %scan3A_232 : i32 to index
        %get3A_243 = arith.constant 16 : index
        %get3A_244 = tpu.vector_load %arg9[%get3A_242, %get3A_243] {strides = array<i32>} : memref<80x64xf32, #tpu.memory_space<vmem>>, vector<1x16xf32>,
        %get3A_245 = vector.shape_cast %get3A_244 : vector<1x16xf32> to vector<16xf32>
        %get3A_246 = arith.index_cast %scan3A_232 : i32 to index
        %get3A_247 = arith.constant 16 : index
        %get3A_248 = tpu.vector_load %arg11[%get3A_246, %get3A_247] {strides = array<i32>} : memref<80x64xf32, #tpu.memory_space<vmem>>, vector<1x16xf32>,
        %get3A_249 = vector.shape_cast %get3A_248 : vector<1x16xf32> to vector<16xf32>
        %sub3A_250 = arith.subf %get3A_245, %get3A_249 : vector<16xf32>
        %get3A_251 = arith.index_cast %scan3A_232 : i32 to index
        %get3A_252 = arith.constant 32 : index
        %get3A_253 = tpu.vector_load %arg9[%get3A_251, %get3A_252] {strides = array<i32>} : memref<80x64xf32, #tpu.memory_space<vmem>>, vector<1x16xf32>,
        %get3A_254 = vector.shape_cast %get3A_253 : vector<1x16xf32> to vector<16xf32>
        %get3A_255 = arith.index_cast %scan3A_232 : i32 to index
        %get3A_256 = arith.constant 32 : index
        %get3A_257 = tpu.vector_load %arg11[%get3A_255, %get3A_256] {strides = array<i32>} : memref<80x64xf32, #tpu.memory_space<vmem>>, vector<1x16xf32>,
        %get3A_258 = vector.shape_cast %get3A_257 : vector<1x16xf32> to vector<16xf32>
        %sub3A_259 = arith.subf %get3A_254, %get3A_258 : vector<16xf32>
        %get3A_260 = arith.index_cast %scan3A_232 : i32 to index
        %get3A_261 = arith.constant 48 : index
        %get3A_262 = tpu.vector_load %arg9[%get3A_260, %get3A_261] {strides = array<i32>} : memref<80x64xf32, #tpu.memory_space<vmem>>, vector<1x16xf32>,
        %get3A_263 = vector.shape_cast %get3A_262 : vector<1x16xf32> to vector<16xf32>
        %get3A_264 = arith.index_cast %scan3A_232 : i32 to index
        %get3A_265 = arith.constant 48 : index
        %get3A_266 = tpu.vector_load %arg11[%get3A_264, %get3A_265] {strides = array<i32>} : memref<80x64xf32, #tpu.memory_space<vmem>>, vector<1x16xf32>,
        %get3A_267 = vector.shape_cast %get3A_266 : vector<1x16xf32> to vector<16xf32>
        %sub3A_268 = arith.subf %get3A_263, %get3A_267 : vector<16xf32>
        %mul3A_269 = arith.mulf %sub3A_241, %sub3A_241 : vector<16xf32>
        %add3A_270 = arith.addf %add3A_224, %mul3A_269 : vector<16xf32>
        %mul3A_271 = arith.mulf %sub3A_250, %sub3A_250 : vector<16xf32>
        %add3A_272 = arith.addf %add3A_226, %mul3A_271 : vector<16xf32>
        %mul3A_273 = arith.mulf %sub3A_259, %sub3A_259 : vector<16xf32>
        %add3A_274 = arith.addf %add3A_228, %mul3A_273 : vector<16xf32>
        %mul3A_275 = arith.mulf %sub3A_268, %sub3A_268 : vector<16xf32>
        %add3A_276 = arith.addf %add3A_230, %mul3A_275 : vector<16xf32>
        %scan3A_277 = arith.constant 3 : i32
        %scan3A_278 = arith.addi %scan3A_137, %scan3A_277 : i32
        %get3A_279 = arith.index_cast %scan3A_278 : i32 to index
        %get3A_280 = arith.constant 0 : index
        %get3A_281 = tpu.vector_load %arg9[%get3A_279, %get3A_280] {strides = array<i32>} : memref<80x64xf32, #tpu.memory_space<vmem>>, vector<1x16xf32>,
        %get3A_282 = vector.shape_cast %get3A_281 : vector<1x16xf32> to vector<16xf32>
        %get3A_283 = arith.index_cast %scan3A_278 : i32 to index
        %get3A_284 = arith.constant 0 : index
        %get3A_285 = tpu.vector_load %arg11[%get3A_283, %get3A_284] {strides = array<i32>} : memref<80x64xf32, #tpu.memory_space<vmem>>, vector<1x16xf32>,
        %get3A_286 = vector.shape_cast %get3A_285 : vector<1x16xf32> to vector<16xf32>
        %sub3A_287 = arith.subf %get3A_282, %get3A_286 : vector<16xf32>
        %get3A_288 = arith.index_cast %scan3A_278 : i32 to index
        %get3A_289 = arith.constant 16 : index
        %get3A_290 = tpu.vector_load %arg9[%get3A_288, %get3A_289] {strides = array<i32>} : memref<80x64xf32, #tpu.memory_space<vmem>>, vector<1x16xf32>,
        %get3A_291 = vector.shape_cast %get3A_290 : vector<1x16xf32> to vector<16xf32>
        %get3A_292 = arith.index_cast %scan3A_278 : i32 to index
        %get3A_293 = arith.constant 16 : index
        %get3A_294 = tpu.vector_load %arg11[%get3A_292, %get3A_293] {strides = array<i32>} : memref<80x64xf32, #tpu.memory_space<vmem>>, vector<1x16xf32>,
        %get3A_295 = vector.shape_cast %get3A_294 : vector<1x16xf32> to vector<16xf32>
        %sub3A_296 = arith.subf %get3A_291, %get3A_295 : vector<16xf32>
        %get3A_297 = arith.index_cast %scan3A_278 : i32 to index
        %get3A_298 = arith.constant 32 : index
        %get3A_299 = tpu.vector_load %arg9[%get3A_297, %get3A_298] {strides = array<i32>} : memref<80x64xf32, #tpu.memory_space<vmem>>, vector<1x16xf32>,
        %get3A_300 = vector.shape_cast %get3A_299 : vector<1x16xf32> to vector<16xf32>
        %get3A_301 = arith.index_cast %scan3A_278 : i32 to index
        %get3A_302 = arith.constant 32 : index
        %get3A_303 = tpu.vector_load %arg11[%get3A_301, %get3A_302] {strides = array<i32>} : memref<80x64xf32, #tpu.memory_space<vmem>>, vector<1x16xf32>,
        %get3A_304 = vector.shape_cast %get3A_303 : vector<1x16xf32> to vector<16xf32>
        %sub3A_305 = arith.subf %get3A_300, %get3A_304 : vector<16xf32>
        %get3A_306 = arith.index_cast %scan3A_278 : i32 to index
        %get3A_307 = arith.constant 48 : index
        %get3A_308 = tpu.vector_load %arg9[%get3A_306, %get3A_307] {strides = array<i32>} : memref<80x64xf32, #tpu.memory_space<vmem>>, vector<1x16xf32>,
        %get3A_309 = vector.shape_cast %get3A_308 : vector<1x16xf32> to vector<16xf32>
        %get3A_310 = arith.index_cast %scan3A_278 : i32 to index
        %get3A_311 = arith.constant 48 : index
        %get3A_312 = tpu.vector_load %arg11[%get3A_310, %get3A_311] {strides = array<i32>} : memref<80x64xf32, #tpu.memory_space<vmem>>, vector<1x16xf32>,
        %get3A_313 = vector.shape_cast %get3A_312 : vector<1x16xf32> to vector<16xf32>
        %sub3A_314 = arith.subf %get3A_309, %get3A_313 : vector<16xf32>
        %mul3A_315 = arith.mulf %sub3A_287, %sub3A_287 : vector<16xf32>
        %add3A_316 = arith.addf %add3A_270, %mul3A_315 : vector<16xf32>
        %mul3A_317 = arith.mulf %sub3A_296, %sub3A_296 : vector<16xf32>
        %add3A_318 = arith.addf %add3A_272, %mul3A_317 : vector<16xf32>
        %mul3A_319 = arith.mulf %sub3A_305, %sub3A_305 : vector<16xf32>
        %add3A_320 = arith.addf %add3A_274, %mul3A_319 : vector<16xf32>
        %mul3A_321 = arith.mulf %sub3A_314, %sub3A_314 : vector<16xf32>
        %add3A_322 = arith.addf %add3A_276, %mul3A_321 : vector<16xf32>
        scf.yield %add3A_316, %add3A_318, %add3A_320, %add3A_322 : vector<16xf32>, vector<16xf32>, vector<16xf32>, vector<16xf32>
      }
      %scan3A_111 = arith.constant 80 : i32
      %add3A_112 = arith.constant 2 : i32
      %add3A_113 = arith.addi %mul3A_83, %add3A_112 : i32
      %lt3A_114 = arith.cmpi slt, %add3A_113, %min3A_27 : i32
      %convert_element_type3A_115 = arith.extui %lt3A_114 : i1 to i32
      %cond3A_116 = arith.constant 0 : i32
      %cond3A_117 = arith.cmpi ne, %convert_element_type3A_115, %cond3A_116 : i32
      scf.if %cond3A_117 {
        %add3A_137 = arith.constant 2 : i32
        %add3A_138 = arith.addi %mul3A_83, %add3A_137 : i32
        %mul3A_139 = arith.constant 80 : i32
        %mul3A_140 = arith.muli %add3A_138, %mul3A_139 : i32
        %multiple_of3A_141 = tpu.assume_multiple %mul3A_140, 8 : i32
        %dma_start3A_142 = tpu.memref_slice %arg7[%multiple_of3A_141] : memref<3200xi32, #tpu.memory_space<vmem>> -> memref<80xi32, #tpu.memory_space<vmem>>
        %dma_start3A_143 = arith.constant 0 : i32
        %dma_start3A_144 = arith.constant 0 : i32
        %dma_start3A_145 = tpu.memref_slice %arg2[%dma_start3A_143, %dma_start3A_144] : memref<100000x64xf32, #tpu.memory_space<hbm>> -> memref<100000x64xf32, #tpu.memory_space<hbm>>
        tpu.enqueue_indirect_dma source(%dma_start3A_145 : memref<100000x64xf32, #tpu.memory_space<hbm>>) target(%arg9 : memref<80x64xf32, #tpu.memory_space<vmem>>) offsets(%dma_start3A_142 : memref<80xi32, #tpu.memory_space<vmem>>) semaphore(%arg14 : memref<!tpu.dma_semaphore, #tpu.memory_space<semaphore_mem>>)
        %dma_start3A_146 = tpu.memref_slice %arg8[%multiple_of3A_141] : memref<3200xi32, #tpu.memory_space<vmem>> -> memref<80xi32, #tpu.memory_space<vmem>>
        %dma_start3A_147 = arith.constant 0 : i32
        %dma_start3A_148 = arith.constant 0 : i32
        %dma_start3A_149 = tpu.memref_slice %arg3[%dma_start3A_147, %dma_start3A_148] : memref<100000x64xf32, #tpu.memory_space<hbm>> -> memref<100000x64xf32, #tpu.memory_space<hbm>>
        tpu.enqueue_indirect_dma source(%dma_start3A_149 : memref<100000x64xf32, #tpu.memory_space<hbm>>) target(%arg11 : memref<80x64xf32, #tpu.memory_space<vmem>>) offsets(%dma_start3A_146 : memref<80xi32, #tpu.memory_space<vmem>>) semaphore(%arg14 : memref<!tpu.dma_semaphore, #tpu.memory_space<semaphore_mem>>)
      } else {
      }
      %add3A_118 = arith.constant 1 : i32
      %add3A_119 = arith.addi %mul3A_83, %add3A_118 : i32
      %mul3A_120 = arith.constant 80 : i32
      %mul3A_121 = arith.muli %add3A_119, %mul3A_120 : i32
      %multiple_of3A_122 = tpu.assume_multiple %mul3A_121, 8 : i32
      %dma_wait3A_123 = tpu.memref_slice %arg7[%multiple_of3A_122] : memref<3200xi32, #tpu.memory_space<vmem>> -> memref<80xi32, #tpu.memory_space<vmem>>
      %dma_wait3A_124 = arith.constant 0 : i32
      %dma_wait3A_125 = arith.constant 0 : i32
      %dma_wait3A_126 = tpu.memref_slice %arg2[%dma_wait3A_124, %dma_wait3A_125] : memref<100000x64xf32, #tpu.memory_space<hbm>> -> memref<100000x64xf32, #tpu.memory_space<hbm>>
      tpu.wait_indirect_dma semaphore(%arg15 : memref<!tpu.dma_semaphore, #tpu.memory_space<semaphore_mem>>) src(%dma_wait3A_126 : memref<100000x64xf32, #tpu.memory_space<hbm>>) dst(%arg10 : memref<80x64xf32, #tpu.memory_space<vmem>>)
      %dma_wait3A_127 = tpu.memref_slice %arg8[%multiple_of3A_122] : memref<3200xi32, #tpu.memory_space<vmem>> -> memref<80xi32, #tpu.memory_space<vmem>>
      %dma_wait3A_128 = arith.constant 0 : i32
      %dma_wait3A_129 = arith.constant 0 : i32
      %dma_wait3A_130 = tpu.memref_slice %arg3[%dma_wait3A_128, %dma_wait3A_129] : memref<100000x64xf32, #tpu.memory_space<hbm>> -> memref<100000x64xf32, #tpu.memory_space<hbm>>
      tpu.wait_indirect_dma semaphore(%arg15 : memref<!tpu.dma_semaphore, #tpu.memory_space<semaphore_mem>>) src(%dma_wait3A_130 : memref<100000x64xf32, #tpu.memory_space<hbm>>) dst(%arg12 : memref<80x64xf32, #tpu.memory_space<vmem>>)
      %scan3A_131 = arith.constant 0 : i32
      %scan3A_132 = arith.constant 80 : i32
      %scan3A_133 = arith.addi %scan3A_131, %scan3A_132 : i32
      %scan3A_134 = arith.constant 4 : i32
      %scan3A_135:4 = scf.for %scan3A_137 = %scan3A_131 to %scan3A_133 step %scan3A_134 iter_args(%scan3A_138 = %scan3A_110#0, %scan3A_139 = %scan3A_110#1, %scan3A_140 = %scan3A_110#2, %scan3A_141 = %scan3A_110#3) -> (vector<16xf32>, vector<16xf32>, vector<16xf32>, vector<16xf32>)  : i32 {
        %get3A = arith.index_cast %scan3A_137 : i32 to index
        %get3A_142 = arith.constant 0 : index
        %get3A_143 = tpu.vector_load %arg10[%get3A, %get3A_142] {strides = array<i32>} : memref<80x64xf32, #tpu.memory_space<vmem>>, vector<1x16xf32>,
        %get3A_144 = vector.shape_cast %get3A_143 : vector<1x16xf32> to vector<16xf32>
        %get3A_145 = arith.index_cast %scan3A_137 : i32 to index
        %get3A_146 = arith.constant 0 : index
        %get3A_147 = tpu.vector_load %arg12[%get3A_145, %get3A_146] {strides = array<i32>} : memref<80x64xf32, #tpu.memory_space<vmem>>, vector<1x16xf32>,
        %get3A_148 = vector.shape_cast %get3A_147 : vector<1x16xf32> to vector<16xf32>
        %sub3A_149 = arith.subf %get3A_144, %get3A_148 : vector<16xf32>
        %get3A_150 = arith.index_cast %scan3A_137 : i32 to index
        %get3A_151 = arith.constant 16 : index
        %get3A_152 = tpu.vector_load %arg10[%get3A_150, %get3A_151] {strides = array<i32>} : memref<80x64xf32, #tpu.memory_space<vmem>>, vector<1x16xf32>,
        %get3A_153 = vector.shape_cast %get3A_152 : vector<1x16xf32> to vector<16xf32>
        %get3A_154 = arith.index_cast %scan3A_137 : i32 to index
        %get3A_155 = arith.constant 16 : index
        %get3A_156 = tpu.vector_load %arg12[%get3A_154, %get3A_155] {strides = array<i32>} : memref<80x64xf32, #tpu.memory_space<vmem>>, vector<1x16xf32>,
        %get3A_157 = vector.shape_cast %get3A_156 : vector<1x16xf32> to vector<16xf32>
        %sub3A_158 = arith.subf %get3A_153, %get3A_157 : vector<16xf32>
        %get3A_159 = arith.index_cast %scan3A_137 : i32 to index
        %get3A_160 = arith.constant 32 : index
        %get3A_161 = tpu.vector_load %arg10[%get3A_159, %get3A_160] {strides = array<i32>} : memref<80x64xf32, #tpu.memory_space<vmem>>, vector<1x16xf32>,
        %get3A_162 = vector.shape_cast %get3A_161 : vector<1x16xf32> to vector<16xf32>
        %get3A_163 = arith.index_cast %scan3A_137 : i32 to index
        %get3A_164 = arith.constant 32 : index
        %get3A_165 = tpu.vector_load %arg12[%get3A_163, %get3A_164] {strides = array<i32>} : memref<80x64xf32, #tpu.memory_space<vmem>>, vector<1x16xf32>,
        %get3A_166 = vector.shape_cast %get3A_165 : vector<1x16xf32> to vector<16xf32>
        %sub3A_167 = arith.subf %get3A_162, %get3A_166 : vector<16xf32>
        %get3A_168 = arith.index_cast %scan3A_137 : i32 to index
        %get3A_169 = arith.constant 48 : index
        %get3A_170 = tpu.vector_load %arg10[%get3A_168, %get3A_169] {strides = array<i32>} : memref<80x64xf32, #tpu.memory_space<vmem>>, vector<1x16xf32>,
        %get3A_171 = vector.shape_cast %get3A_170 : vector<1x16xf32> to vector<16xf32>
        %get3A_172 = arith.index_cast %scan3A_137 : i32 to index
        %get3A_173 = arith.constant 48 : index
        %get3A_174 = tpu.vector_load %arg12[%get3A_172, %get3A_173] {strides = array<i32>} : memref<80x64xf32, #tpu.memory_space<vmem>>, vector<1x16xf32>,
        %get3A_175 = vector.shape_cast %get3A_174 : vector<1x16xf32> to vector<16xf32>
        %sub3A_176 = arith.subf %get3A_171, %get3A_175 : vector<16xf32>
        %mul3A_177 = arith.mulf %sub3A_149, %sub3A_149 : vector<16xf32>
        %add3A_178 = arith.addf %scan3A_138, %mul3A_177 : vector<16xf32>
        %mul3A_179 = arith.mulf %sub3A_158, %sub3A_158 : vector<16xf32>
        %add3A_180 = arith.addf %scan3A_139, %mul3A_179 : vector<16xf32>
        %mul3A_181 = arith.mulf %sub3A_167, %sub3A_167 : vector<16xf32>
        %add3A_182 = arith.addf %scan3A_140, %mul3A_181 : vector<16xf32>
        %mul3A_183 = arith.mulf %sub3A_176, %sub3A_176 : vector<16xf32>
        %add3A_184 = arith.addf %scan3A_141, %mul3A_183 : vector<16xf32>
        %scan3A_185 = arith.constant 1 : i32
        %scan3A_186 = arith.addi %scan3A_137, %scan3A_185 : i32
        %get3A_187 = arith.index_cast %scan3A_186 : i32 to index
        %get3A_188 = arith.constant 0 : index
        %get3A_189 = tpu.vector_load %arg10[%get3A_187, %get3A_188] {strides = array<i32>} : memref<80x64xf32, #tpu.memory_space<vmem>>, vector<1x16xf32>,
        %get3A_190 = vector.shape_cast %get3A_189 : vector<1x16xf32> to vector<16xf32>
        %get3A_191 = arith.index_cast %scan3A_186 : i32 to index
        %get3A_192 = arith.constant 0 : index
        %get3A_193 = tpu.vector_load %arg12[%get3A_191, %get3A_192] {strides = array<i32>} : memref<80x64xf32, #tpu.memory_space<vmem>>, vector<1x16xf32>,
        %get3A_194 = vector.shape_cast %get3A_193 : vector<1x16xf32> to vector<16xf32>
        %sub3A_195 = arith.subf %get3A_190, %get3A_194 : vector<16xf32>
        %get3A_196 = arith.index_cast %scan3A_186 : i32 to index
        %get3A_197 = arith.constant 16 : index
        %get3A_198 = tpu.vector_load %arg10[%get3A_196, %get3A_197] {strides = array<i32>} : memref<80x64xf32, #tpu.memory_space<vmem>>, vector<1x16xf32>,
        %get3A_199 = vector.shape_cast %get3A_198 : vector<1x16xf32> to vector<16xf32>
        %get3A_200 = arith.index_cast %scan3A_186 : i32 to index
        %get3A_201 = arith.constant 16 : index
        %get3A_202 = tpu.vector_load %arg12[%get3A_200, %get3A_201] {strides = array<i32>} : memref<80x64xf32, #tpu.memory_space<vmem>>, vector<1x16xf32>,
        %get3A_203 = vector.shape_cast %get3A_202 : vector<1x16xf32> to vector<16xf32>
        %sub3A_204 = arith.subf %get3A_199, %get3A_203 : vector<16xf32>
        %get3A_205 = arith.index_cast %scan3A_186 : i32 to index
        %get3A_206 = arith.constant 32 : index
        %get3A_207 = tpu.vector_load %arg10[%get3A_205, %get3A_206] {strides = array<i32>} : memref<80x64xf32, #tpu.memory_space<vmem>>, vector<1x16xf32>,
        %get3A_208 = vector.shape_cast %get3A_207 : vector<1x16xf32> to vector<16xf32>
        %get3A_209 = arith.index_cast %scan3A_186 : i32 to index
        %get3A_210 = arith.constant 32 : index
        %get3A_211 = tpu.vector_load %arg12[%get3A_209, %get3A_210] {strides = array<i32>} : memref<80x64xf32, #tpu.memory_space<vmem>>, vector<1x16xf32>,
        %get3A_212 = vector.shape_cast %get3A_211 : vector<1x16xf32> to vector<16xf32>
        %sub3A_213 = arith.subf %get3A_208, %get3A_212 : vector<16xf32>
        %get3A_214 = arith.index_cast %scan3A_186 : i32 to index
        %get3A_215 = arith.constant 48 : index
        %get3A_216 = tpu.vector_load %arg10[%get3A_214, %get3A_215] {strides = array<i32>} : memref<80x64xf32, #tpu.memory_space<vmem>>, vector<1x16xf32>,
        %get3A_217 = vector.shape_cast %get3A_216 : vector<1x16xf32> to vector<16xf32>
        %get3A_218 = arith.index_cast %scan3A_186 : i32 to index
        %get3A_219 = arith.constant 48 : index
        %get3A_220 = tpu.vector_load %arg12[%get3A_218, %get3A_219] {strides = array<i32>} : memref<80x64xf32, #tpu.memory_space<vmem>>, vector<1x16xf32>,
        %get3A_221 = vector.shape_cast %get3A_220 : vector<1x16xf32> to vector<16xf32>
        %sub3A_222 = arith.subf %get3A_217, %get3A_221 : vector<16xf32>
        %mul3A_223 = arith.mulf %sub3A_195, %sub3A_195 : vector<16xf32>
        %add3A_224 = arith.addf %add3A_178, %mul3A_223 : vector<16xf32>
        %mul3A_225 = arith.mulf %sub3A_204, %sub3A_204 : vector<16xf32>
        %add3A_226 = arith.addf %add3A_180, %mul3A_225 : vector<16xf32>
        %mul3A_227 = arith.mulf %sub3A_213, %sub3A_213 : vector<16xf32>
        %add3A_228 = arith.addf %add3A_182, %mul3A_227 : vector<16xf32>
        %mul3A_229 = arith.mulf %sub3A_222, %sub3A_222 : vector<16xf32>
        %add3A_230 = arith.addf %add3A_184, %mul3A_229 : vector<16xf32>
        %scan3A_231 = arith.constant 2 : i32
        %scan3A_232 = arith.addi %scan3A_137, %scan3A_231 : i32
        %get3A_233 = arith.index_cast %scan3A_232 : i32 to index
        %get3A_234 = arith.constant 0 : index
        %get3A_235 = tpu.vector_load %arg10[%get3A_233, %get3A_234] {strides = array<i32>} : memref<80x64xf32, #tpu.memory_space<vmem>>, vector<1x16xf32>,
        %get3A_236 = vector.shape_cast %get3A_235 : vector<1x16xf32> to vector<16xf32>
        %get3A_237 = arith.index_cast %scan3A_232 : i32 to index
        %get3A_238 = arith.constant 0 : index
        %get3A_239 = tpu.vector_load %arg12[%get3A_237, %get3A_238] {strides = array<i32>} : memref<80x64xf32, #tpu.memory_space<vmem>>, vector<1x16xf32>,
        %get3A_240 = vector.shape_cast %get3A_239 : vector<1x16xf32> to vector<16xf32>
        %sub3A_241 = arith.subf %get3A_236, %get3A_240 : vector<16xf32>
        %get3A_242 = arith.index_cast %scan3A_232 : i32 to index
        %get3A_243 = arith.constant 16 : index
        %get3A_244 = tpu.vector_load %arg10[%get3A_242, %get3A_243] {strides = array<i32>} : memref<80x64xf32, #tpu.memory_space<vmem>>, vector<1x16xf32>,
        %get3A_245 = vector.shape_cast %get3A_244 : vector<1x16xf32> to vector<16xf32>
        %get3A_246 = arith.index_cast %scan3A_232 : i32 to index
        %get3A_247 = arith.constant 16 : index
        %get3A_248 = tpu.vector_load %arg12[%get3A_246, %get3A_247] {strides = array<i32>} : memref<80x64xf32, #tpu.memory_space<vmem>>, vector<1x16xf32>,
        %get3A_249 = vector.shape_cast %get3A_248 : vector<1x16xf32> to vector<16xf32>
        %sub3A_250 = arith.subf %get3A_245, %get3A_249 : vector<16xf32>
        %get3A_251 = arith.index_cast %scan3A_232 : i32 to index
        %get3A_252 = arith.constant 32 : index
        %get3A_253 = tpu.vector_load %arg10[%get3A_251, %get3A_252] {strides = array<i32>} : memref<80x64xf32, #tpu.memory_space<vmem>>, vector<1x16xf32>,
        %get3A_254 = vector.shape_cast %get3A_253 : vector<1x16xf32> to vector<16xf32>
        %get3A_255 = arith.index_cast %scan3A_232 : i32 to index
        %get3A_256 = arith.constant 32 : index
        %get3A_257 = tpu.vector_load %arg12[%get3A_255, %get3A_256] {strides = array<i32>} : memref<80x64xf32, #tpu.memory_space<vmem>>, vector<1x16xf32>,
        %get3A_258 = vector.shape_cast %get3A_257 : vector<1x16xf32> to vector<16xf32>
        %sub3A_259 = arith.subf %get3A_254, %get3A_258 : vector<16xf32>
        %get3A_260 = arith.index_cast %scan3A_232 : i32 to index
        %get3A_261 = arith.constant 48 : index
        %get3A_262 = tpu.vector_load %arg10[%get3A_260, %get3A_261] {strides = array<i32>} : memref<80x64xf32, #tpu.memory_space<vmem>>, vector<1x16xf32>,
        %get3A_263 = vector.shape_cast %get3A_262 : vector<1x16xf32> to vector<16xf32>
        %get3A_264 = arith.index_cast %scan3A_232 : i32 to index
        %get3A_265 = arith.constant 48 : index
        %get3A_266 = tpu.vector_load %arg12[%get3A_264, %get3A_265] {strides = array<i32>} : memref<80x64xf32, #tpu.memory_space<vmem>>, vector<1x16xf32>,
        %get3A_267 = vector.shape_cast %get3A_266 : vector<1x16xf32> to vector<16xf32>
        %sub3A_268 = arith.subf %get3A_263, %get3A_267 : vector<16xf32>
        %mul3A_269 = arith.mulf %sub3A_241, %sub3A_241 : vector<16xf32>
        %add3A_270 = arith.addf %add3A_224, %mul3A_269 : vector<16xf32>
        %mul3A_271 = arith.mulf %sub3A_250, %sub3A_250 : vector<16xf32>
        %add3A_272 = arith.addf %add3A_226, %mul3A_271 : vector<16xf32>
        %mul3A_273 = arith.mulf %sub3A_259, %sub3A_259 : vector<16xf32>
        %add3A_274 = arith.addf %add3A_228, %mul3A_273 : vector<16xf32>
        %mul3A_275 = arith.mulf %sub3A_268, %sub3A_268 : vector<16xf32>
        %add3A_276 = arith.addf %add3A_230, %mul3A_275 : vector<16xf32>
        %scan3A_277 = arith.constant 3 : i32
        %scan3A_278 = arith.addi %scan3A_137, %scan3A_277 : i32
        %get3A_279 = arith.index_cast %scan3A_278 : i32 to index
        %get3A_280 = arith.constant 0 : index
        %get3A_281 = tpu.vector_load %arg10[%get3A_279, %get3A_280] {strides = array<i32>} : memref<80x64xf32, #tpu.memory_space<vmem>>, vector<1x16xf32>,
        %get3A_282 = vector.shape_cast %get3A_281 : vector<1x16xf32> to vector<16xf32>
        %get3A_283 = arith.index_cast %scan3A_278 : i32 to index
        %get3A_284 = arith.constant 0 : index
        %get3A_285 = tpu.vector_load %arg12[%get3A_283, %get3A_284] {strides = array<i32>} : memref<80x64xf32, #tpu.memory_space<vmem>>, vector<1x16xf32>,
        %get3A_286 = vector.shape_cast %get3A_285 : vector<1x16xf32> to vector<16xf32>
        %sub3A_287 = arith.subf %get3A_282, %get3A_286 : vector<16xf32>
        %get3A_288 = arith.index_cast %scan3A_278 : i32 to index
        %get3A_289 = arith.constant 16 : index
        %get3A_290 = tpu.vector_load %arg10[%get3A_288, %get3A_289] {strides = array<i32>} : memref<80x64xf32, #tpu.memory_space<vmem>>, vector<1x16xf32>,
        %get3A_291 = vector.shape_cast %get3A_290 : vector<1x16xf32> to vector<16xf32>
        %get3A_292 = arith.index_cast %scan3A_278 : i32 to index
        %get3A_293 = arith.constant 16 : index
        %get3A_294 = tpu.vector_load %arg12[%get3A_292, %get3A_293] {strides = array<i32>} : memref<80x64xf32, #tpu.memory_space<vmem>>, vector<1x16xf32>,
        %get3A_295 = vector.shape_cast %get3A_294 : vector<1x16xf32> to vector<16xf32>
        %sub3A_296 = arith.subf %get3A_291, %get3A_295 : vector<16xf32>
        %get3A_297 = arith.index_cast %scan3A_278 : i32 to index
        %get3A_298 = arith.constant 32 : index
        %get3A_299 = tpu.vector_load %arg10[%get3A_297, %get3A_298] {strides = array<i32>} : memref<80x64xf32, #tpu.memory_space<vmem>>, vector<1x16xf32>,
        %get3A_300 = vector.shape_cast %get3A_299 : vector<1x16xf32> to vector<16xf32>
        %get3A_301 = arith.index_cast %scan3A_278 : i32 to index
        %get3A_302 = arith.constant 32 : index
        %get3A_303 = tpu.vector_load %arg12[%get3A_301, %get3A_302] {strides = array<i32>} : memref<80x64xf32, #tpu.memory_space<vmem>>, vector<1x16xf32>,
        %get3A_304 = vector.shape_cast %get3A_303 : vector<1x16xf32> to vector<16xf32>
        %sub3A_305 = arith.subf %get3A_300, %get3A_304 : vector<16xf32>
        %get3A_306 = arith.index_cast %scan3A_278 : i32 to index
        %get3A_307 = arith.constant 48 : index
        %get3A_308 = tpu.vector_load %arg10[%get3A_306, %get3A_307] {strides = array<i32>} : memref<80x64xf32, #tpu.memory_space<vmem>>, vector<1x16xf32>,
        %get3A_309 = vector.shape_cast %get3A_308 : vector<1x16xf32> to vector<16xf32>
        %get3A_310 = arith.index_cast %scan3A_278 : i32 to index
        %get3A_311 = arith.constant 48 : index
        %get3A_312 = tpu.vector_load %arg12[%get3A_310, %get3A_311] {strides = array<i32>} : memref<80x64xf32, #tpu.memory_space<vmem>>, vector<1x16xf32>,
        %get3A_313 = vector.shape_cast %get3A_312 : vector<1x16xf32> to vector<16xf32>
        %sub3A_314 = arith.subf %get3A_309, %get3A_313 : vector<16xf32>
        %mul3A_315 = arith.mulf %sub3A_287, %sub3A_287 : vector<16xf32>
        %add3A_316 = arith.addf %add3A_270, %mul3A_315 : vector<16xf32>
        %mul3A_317 = arith.mulf %sub3A_296, %sub3A_296 : vector<16xf32>
        %add3A_318 = arith.addf %add3A_272, %mul3A_317 : vector<16xf32>
        %mul3A_319 = arith.mulf %sub3A_305, %sub3A_305 : vector<16xf32>
        %add3A_320 = arith.addf %add3A_274, %mul3A_319 : vector<16xf32>
        %mul3A_321 = arith.mulf %sub3A_314, %sub3A_314 : vector<16xf32>
        %add3A_322 = arith.addf %add3A_276, %mul3A_321 : vector<16xf32>
        scf.yield %add3A_316, %add3A_318, %add3A_320, %add3A_322 : vector<16xf32>, vector<16xf32>, vector<16xf32>, vector<16xf32>
      }
      %scan3A_136 = arith.constant 80 : i32
      scf.yield %scan3A_135#0, %scan3A_135#1, %scan3A_135#2, %scan3A_135#3 : vector<16xf32>, vector<16xf32>, vector<16xf32>, vector<16xf32>
    }
    %while3A_69 = arith.constant 1 : i32
    %while3A_70:4 = scf.for %while3A_77 = %while3A_66 to %while3A_62 step %while3A_69 iter_args(%while3A_78 = %while3A_68#0, %while3A_79 = %while3A_68#1, %while3A_80 = %while3A_68#2, %while3A_81 = %while3A_68#3) -> (vector<16xf32>, vector<16xf32>, vector<16xf32>, vector<16xf32>)  : i32 {
      %mul3A_82 = arith.constant 2 : i32
      %mul3A_83 = arith.muli %mul3A_82, %while3A_77 : i32
      %add3A_84 = arith.constant 1 : i32
      %add3A_85 = arith.addi %mul3A_83, %add3A_84 : i32
      %mul3A_86 = arith.constant 80 : i32
      %mul3A_87 = arith.muli %add3A_85, %mul3A_86 : i32
      %multiple_of3A_88 = tpu.assume_multiple %mul3A_87, 8 : i32
      %dma_start3A_89 = tpu.memref_slice %arg7[%multiple_of3A_88] : memref<3200xi32, #tpu.memory_space<vmem>> -> memref<80xi32, #tpu.memory_space<vmem>>
      %dma_start3A_90 = arith.constant 0 : i32
      %dma_start3A_91 = arith.constant 0 : i32
      %dma_start3A_92 = tpu.memref_slice %arg2[%dma_start3A_90, %dma_start3A_91] : memref<100000x64xf32, #tpu.memory_space<hbm>> -> memref<100000x64xf32, #tpu.memory_space<hbm>>
      tpu.enqueue_indirect_dma source(%dma_start3A_92 : memref<100000x64xf32, #tpu.memory_space<hbm>>) target(%arg10 : memref<80x64xf32, #tpu.memory_space<vmem>>) offsets(%dma_start3A_89 : memref<80xi32, #tpu.memory_space<vmem>>) semaphore(%arg15 : memref<!tpu.dma_semaphore, #tpu.memory_space<semaphore_mem>>)
      %dma_start3A_93 = tpu.memref_slice %arg8[%multiple_of3A_88] : memref<3200xi32, #tpu.memory_space<vmem>> -> memref<80xi32, #tpu.memory_space<vmem>>
      %dma_start3A_94 = arith.constant 0 : i32
      %dma_start3A_95 = arith.constant 0 : i32
      %dma_start3A_96 = tpu.memref_slice %arg3[%dma_start3A_94, %dma_start3A_95] : memref<100000x64xf32, #tpu.memory_space<hbm>> -> memref<100000x64xf32, #tpu.memory_space<hbm>>
      tpu.enqueue_indirect_dma source(%dma_start3A_96 : memref<100000x64xf32, #tpu.memory_space<hbm>>) target(%arg12 : memref<80x64xf32, #tpu.memory_space<vmem>>) offsets(%dma_start3A_93 : memref<80xi32, #tpu.memory_space<vmem>>) semaphore(%arg15 : memref<!tpu.dma_semaphore, #tpu.memory_space<semaphore_mem>>)
      %mul3A_97 = arith.constant 80 : i32
      %mul3A_98 = arith.muli %mul3A_83, %mul3A_97 : i32
      %multiple_of3A_99 = tpu.assume_multiple %mul3A_98, 8 : i32
      %dma_wait3A = tpu.memref_slice %arg7[%multiple_of3A_99] : memref<3200xi32, #tpu.memory_space<vmem>> -> memref<80xi32, #tpu.memory_space<vmem>>
      %dma_wait3A_100 = arith.constant 0 : i32
      %dma_wait3A_101 = arith.constant 0 : i32
      %dma_wait3A_102 = tpu.memref_slice %arg2[%dma_wait3A_100, %dma_wait3A_101] : memref<100000x64xf32, #tpu.memory_space<hbm>> -> memref<100000x64xf32, #tpu.memory_space<hbm>>
      tpu.wait_indirect_dma semaphore(%arg14 : memref<!tpu.dma_semaphore, #tpu.memory_space<semaphore_mem>>) src(%dma_wait3A_102 : memref<100000x64xf32, #tpu.memory_space<hbm>>) dst(%arg9 : memref<80x64xf32, #tpu.memory_space<vmem>>)
      %dma_wait3A_103 = tpu.memref_slice %arg8[%multiple_of3A_99] : memref<3200xi32, #tpu.memory_space<vmem>> -> memref<80xi32, #tpu.memory_space<vmem>>
      %dma_wait3A_104 = arith.constant 0 : i32
      %dma_wait3A_105 = arith.constant 0 : i32
      %dma_wait3A_106 = tpu.memref_slice %arg3[%dma_wait3A_104, %dma_wait3A_105] : memref<100000x64xf32, #tpu.memory_space<hbm>> -> memref<100000x64xf32, #tpu.memory_space<hbm>>
      tpu.wait_indirect_dma semaphore(%arg14 : memref<!tpu.dma_semaphore, #tpu.memory_space<semaphore_mem>>) src(%dma_wait3A_106 : memref<100000x64xf32, #tpu.memory_space<hbm>>) dst(%arg11 : memref<80x64xf32, #tpu.memory_space<vmem>>)
      %scan3A = arith.constant 0 : i32
      %scan3A_107 = arith.constant 80 : i32
      %scan3A_108 = arith.addi %scan3A, %scan3A_107 : i32
      %scan3A_109 = arith.constant 4 : i32
      %scan3A_110:4 = scf.for %scan3A_137 = %scan3A to %scan3A_108 step %scan3A_109 iter_args(%scan3A_138 = %while3A_78, %scan3A_139 = %while3A_79, %scan3A_140 = %while3A_80, %scan3A_141 = %while3A_81) -> (vector<16xf32>, vector<16xf32>, vector<16xf32>, vector<16xf32>)  : i32 {
        %get3A = arith.index_cast %scan3A_137 : i32 to index
        %get3A_142 = arith.constant 0 : index
        %get3A_143 = tpu.vector_load %arg9[%get3A, %get3A_142] {strides = array<i32>} : memref<80x64xf32, #tpu.memory_space<vmem>>, vector<1x16xf32>,
        %get3A_144 = vector.shape_cast %get3A_143 : vector<1x16xf32> to vector<16xf32>
        %get3A_145 = arith.index_cast %scan3A_137 : i32 to index
        %get3A_146 = arith.constant 0 : index
        %get3A_147 = tpu.vector_load %arg11[%get3A_145, %get3A_146] {strides = array<i32>} : memref<80x64xf32, #tpu.memory_space<vmem>>, vector<1x16xf32>,
        %get3A_148 = vector.shape_cast %get3A_147 : vector<1x16xf32> to vector<16xf32>
        %sub3A_149 = arith.subf %get3A_144, %get3A_148 : vector<16xf32>
        %get3A_150 = arith.index_cast %scan3A_137 : i32 to index
        %get3A_151 = arith.constant 16 : index
        %get3A_152 = tpu.vector_load %arg9[%get3A_150, %get3A_151] {strides = array<i32>} : memref<80x64xf32, #tpu.memory_space<vmem>>, vector<1x16xf32>,
        %get3A_153 = vector.shape_cast %get3A_152 : vector<1x16xf32> to vector<16xf32>
        %get3A_154 = arith.index_cast %scan3A_137 : i32 to index
        %get3A_155 = arith.constant 16 : index
        %get3A_156 = tpu.vector_load %arg11[%get3A_154, %get3A_155] {strides = array<i32>} : memref<80x64xf32, #tpu.memory_space<vmem>>, vector<1x16xf32>,
        %get3A_157 = vector.shape_cast %get3A_156 : vector<1x16xf32> to vector<16xf32>
        %sub3A_158 = arith.subf %get3A_153, %get3A_157 : vector<16xf32>
        %get3A_159 = arith.index_cast %scan3A_137 : i32 to index
        %get3A_160 = arith.constant 32 : index
        %get3A_161 = tpu.vector_load %arg9[%get3A_159, %get3A_160] {strides = array<i32>} : memref<80x64xf32, #tpu.memory_space<vmem>>, vector<1x16xf32>,
        %get3A_162 = vector.shape_cast %get3A_161 : vector<1x16xf32> to vector<16xf32>
        %get3A_163 = arith.index_cast %scan3A_137 : i32 to index
        %get3A_164 = arith.constant 32 : index
        %get3A_165 = tpu.vector_load %arg11[%get3A_163, %get3A_164] {strides = array<i32>} : memref<80x64xf32, #tpu.memory_space<vmem>>, vector<1x16xf32>,
        %get3A_166 = vector.shape_cast %get3A_165 : vector<1x16xf32> to vector<16xf32>
        %sub3A_167 = arith.subf %get3A_162, %get3A_166 : vector<16xf32>
        %get3A_168 = arith.index_cast %scan3A_137 : i32 to index
        %get3A_169 = arith.constant 48 : index
        %get3A_170 = tpu.vector_load %arg9[%get3A_168, %get3A_169] {strides = array<i32>} : memref<80x64xf32, #tpu.memory_space<vmem>>, vector<1x16xf32>,
        %get3A_171 = vector.shape_cast %get3A_170 : vector<1x16xf32> to vector<16xf32>
        %get3A_172 = arith.index_cast %scan3A_137 : i32 to index
        %get3A_173 = arith.constant 48 : index
        %get3A_174 = tpu.vector_load %arg11[%get3A_172, %get3A_173] {strides = array<i32>} : memref<80x64xf32, #tpu.memory_space<vmem>>, vector<1x16xf32>,
        %get3A_175 = vector.shape_cast %get3A_174 : vector<1x16xf32> to vector<16xf32>
        %sub3A_176 = arith.subf %get3A_171, %get3A_175 : vector<16xf32>
        %mul3A_177 = arith.mulf %sub3A_149, %sub3A_149 : vector<16xf32>
        %add3A_178 = arith.addf %scan3A_138, %mul3A_177 : vector<16xf32>
        %mul3A_179 = arith.mulf %sub3A_158, %sub3A_158 : vector<16xf32>
        %add3A_180 = arith.addf %scan3A_139, %mul3A_179 : vector<16xf32>
        %mul3A_181 = arith.mulf %sub3A_167, %sub3A_167 : vector<16xf32>
        %add3A_182 = arith.addf %scan3A_140, %mul3A_181 : vector<16xf32>
        %mul3A_183 = arith.mulf %sub3A_176, %sub3A_176 : vector<16xf32>
        %add3A_184 = arith.addf %scan3A_141, %mul3A_183 : vector<16xf32>
        %scan3A_185 = arith.constant 1 : i32
        %scan3A_186 = arith.addi %scan3A_137, %scan3A_185 : i32
        %get3A_187 = arith.index_cast %scan3A_186 : i32 to index
        %get3A_188 = arith.constant 0 : index
        %get3A_189 = tpu.vector_load %arg9[%get3A_187, %get3A_188] {strides = array<i32>} : memref<80x64xf32, #tpu.memory_space<vmem>>, vector<1x16xf32>,
        %get3A_190 = vector.shape_cast %get3A_189 : vector<1x16xf32> to vector<16xf32>
        %get3A_191 = arith.index_cast %scan3A_186 : i32 to index
        %get3A_192 = arith.constant 0 : index
        %get3A_193 = tpu.vector_load %arg11[%get3A_191, %get3A_192] {strides = array<i32>} : memref<80x64xf32, #tpu.memory_space<vmem>>, vector<1x16xf32>,
        %get3A_194 = vector.shape_cast %get3A_193 : vector<1x16xf32> to vector<16xf32>
        %sub3A_195 = arith.subf %get3A_190, %get3A_194 : vector<16xf32>
        %get3A_196 = arith.index_cast %scan3A_186 : i32 to index
        %get3A_197 = arith.constant 16 : index
        %get3A_198 = tpu.vector_load %arg9[%get3A_196, %get3A_197] {strides = array<i32>} : memref<80x64xf32, #tpu.memory_space<vmem>>, vector<1x16xf32>,
        %get3A_199 = vector.shape_cast %get3A_198 : vector<1x16xf32> to vector<16xf32>
        %get3A_200 = arith.index_cast %scan3A_186 : i32 to index
        %get3A_201 = arith.constant 16 : index
        %get3A_202 = tpu.vector_load %arg11[%get3A_200, %get3A_201] {strides = array<i32>} : memref<80x64xf32, #tpu.memory_space<vmem>>, vector<1x16xf32>,
        %get3A_203 = vector.shape_cast %get3A_202 : vector<1x16xf32> to vector<16xf32>
        %sub3A_204 = arith.subf %get3A_199, %get3A_203 : vector<16xf32>
        %get3A_205 = arith.index_cast %scan3A_186 : i32 to index
        %get3A_206 = arith.constant 32 : index
        %get3A_207 = tpu.vector_load %arg9[%get3A_205, %get3A_206] {strides = array<i32>} : memref<80x64xf32, #tpu.memory_space<vmem>>, vector<1x16xf32>,
        %get3A_208 = vector.shape_cast %get3A_207 : vector<1x16xf32> to vector<16xf32>
        %get3A_209 = arith.index_cast %scan3A_186 : i32 to index
        %get3A_210 = arith.constant 32 : index
        %get3A_211 = tpu.vector_load %arg11[%get3A_209, %get3A_210] {strides = array<i32>} : memref<80x64xf32, #tpu.memory_space<vmem>>, vector<1x16xf32>,
        %get3A_212 = vector.shape_cast %get3A_211 : vector<1x16xf32> to vector<16xf32>
        %sub3A_213 = arith.subf %get3A_208, %get3A_212 : vector<16xf32>
        %get3A_214 = arith.index_cast %scan3A_186 : i32 to index
        %get3A_215 = arith.constant 48 : index
        %get3A_216 = tpu.vector_load %arg9[%get3A_214, %get3A_215] {strides = array<i32>} : memref<80x64xf32, #tpu.memory_space<vmem>>, vector<1x16xf32>,
        %get3A_217 = vector.shape_cast %get3A_216 : vector<1x16xf32> to vector<16xf32>
        %get3A_218 = arith.index_cast %scan3A_186 : i32 to index
        %get3A_219 = arith.constant 48 : index
        %get3A_220 = tpu.vector_load %arg11[%get3A_218, %get3A_219] {strides = array<i32>} : memref<80x64xf32, #tpu.memory_space<vmem>>, vector<1x16xf32>,
        %get3A_221 = vector.shape_cast %get3A_220 : vector<1x16xf32> to vector<16xf32>
        %sub3A_222 = arith.subf %get3A_217, %get3A_221 : vector<16xf32>
        %mul3A_223 = arith.mulf %sub3A_195, %sub3A_195 : vector<16xf32>
        %add3A_224 = arith.addf %add3A_178, %mul3A_223 : vector<16xf32>
        %mul3A_225 = arith.mulf %sub3A_204, %sub3A_204 : vector<16xf32>
        %add3A_226 = arith.addf %add3A_180, %mul3A_225 : vector<16xf32>
        %mul3A_227 = arith.mulf %sub3A_213, %sub3A_213 : vector<16xf32>
        %add3A_228 = arith.addf %add3A_182, %mul3A_227 : vector<16xf32>
        %mul3A_229 = arith.mulf %sub3A_222, %sub3A_222 : vector<16xf32>
        %add3A_230 = arith.addf %add3A_184, %mul3A_229 : vector<16xf32>
        %scan3A_231 = arith.constant 2 : i32
        %scan3A_232 = arith.addi %scan3A_137, %scan3A_231 : i32
        %get3A_233 = arith.index_cast %scan3A_232 : i32 to index
        %get3A_234 = arith.constant 0 : index
        %get3A_235 = tpu.vector_load %arg9[%get3A_233, %get3A_234] {strides = array<i32>} : memref<80x64xf32, #tpu.memory_space<vmem>>, vector<1x16xf32>,
        %get3A_236 = vector.shape_cast %get3A_235 : vector<1x16xf32> to vector<16xf32>
        %get3A_237 = arith.index_cast %scan3A_232 : i32 to index
        %get3A_238 = arith.constant 0 : index
        %get3A_239 = tpu.vector_load %arg11[%get3A_237, %get3A_238] {strides = array<i32>} : memref<80x64xf32, #tpu.memory_space<vmem>>, vector<1x16xf32>,
        %get3A_240 = vector.shape_cast %get3A_239 : vector<1x16xf32> to vector<16xf32>
        %sub3A_241 = arith.subf %get3A_236, %get3A_240 : vector<16xf32>
        %get3A_242 = arith.index_cast %scan3A_232 : i32 to index
        %get3A_243 = arith.constant 16 : index
        %get3A_244 = tpu.vector_load %arg9[%get3A_242, %get3A_243] {strides = array<i32>} : memref<80x64xf32, #tpu.memory_space<vmem>>, vector<1x16xf32>,
        %get3A_245 = vector.shape_cast %get3A_244 : vector<1x16xf32> to vector<16xf32>
        %get3A_246 = arith.index_cast %scan3A_232 : i32 to index
        %get3A_247 = arith.constant 16 : index
        %get3A_248 = tpu.vector_load %arg11[%get3A_246, %get3A_247] {strides = array<i32>} : memref<80x64xf32, #tpu.memory_space<vmem>>, vector<1x16xf32>,
        %get3A_249 = vector.shape_cast %get3A_248 : vector<1x16xf32> to vector<16xf32>
        %sub3A_250 = arith.subf %get3A_245, %get3A_249 : vector<16xf32>
        %get3A_251 = arith.index_cast %scan3A_232 : i32 to index
        %get3A_252 = arith.constant 32 : index
        %get3A_253 = tpu.vector_load %arg9[%get3A_251, %get3A_252] {strides = array<i32>} : memref<80x64xf32, #tpu.memory_space<vmem>>, vector<1x16xf32>,
        %get3A_254 = vector.shape_cast %get3A_253 : vector<1x16xf32> to vector<16xf32>
        %get3A_255 = arith.index_cast %scan3A_232 : i32 to index
        %get3A_256 = arith.constant 32 : index
        %get3A_257 = tpu.vector_load %arg11[%get3A_255, %get3A_256] {strides = array<i32>} : memref<80x64xf32, #tpu.memory_space<vmem>>, vector<1x16xf32>,
        %get3A_258 = vector.shape_cast %get3A_257 : vector<1x16xf32> to vector<16xf32>
        %sub3A_259 = arith.subf %get3A_254, %get3A_258 : vector<16xf32>
        %get3A_260 = arith.index_cast %scan3A_232 : i32 to index
        %get3A_261 = arith.constant 48 : index
        %get3A_262 = tpu.vector_load %arg9[%get3A_260, %get3A_261] {strides = array<i32>} : memref<80x64xf32, #tpu.memory_space<vmem>>, vector<1x16xf32>,
        %get3A_263 = vector.shape_cast %get3A_262 : vector<1x16xf32> to vector<16xf32>
        %get3A_264 = arith.index_cast %scan3A_232 : i32 to index
        %get3A_265 = arith.constant 48 : index
        %get3A_266 = tpu.vector_load %arg11[%get3A_264, %get3A_265] {strides = array<i32>} : memref<80x64xf32, #tpu.memory_space<vmem>>, vector<1x16xf32>,
        %get3A_267 = vector.shape_cast %get3A_266 : vector<1x16xf32> to vector<16xf32>
        %sub3A_268 = arith.subf %get3A_263, %get3A_267 : vector<16xf32>
        %mul3A_269 = arith.mulf %sub3A_241, %sub3A_241 : vector<16xf32>
        %add3A_270 = arith.addf %add3A_224, %mul3A_269 : vector<16xf32>
        %mul3A_271 = arith.mulf %sub3A_250, %sub3A_250 : vector<16xf32>
        %add3A_272 = arith.addf %add3A_226, %mul3A_271 : vector<16xf32>
        %mul3A_273 = arith.mulf %sub3A_259, %sub3A_259 : vector<16xf32>
        %add3A_274 = arith.addf %add3A_228, %mul3A_273 : vector<16xf32>
        %mul3A_275 = arith.mulf %sub3A_268, %sub3A_268 : vector<16xf32>
        %add3A_276 = arith.addf %add3A_230, %mul3A_275 : vector<16xf32>
        %scan3A_277 = arith.constant 3 : i32
        %scan3A_278 = arith.addi %scan3A_137, %scan3A_277 : i32
        %get3A_279 = arith.index_cast %scan3A_278 : i32 to index
        %get3A_280 = arith.constant 0 : index
        %get3A_281 = tpu.vector_load %arg9[%get3A_279, %get3A_280] {strides = array<i32>} : memref<80x64xf32, #tpu.memory_space<vmem>>, vector<1x16xf32>,
        %get3A_282 = vector.shape_cast %get3A_281 : vector<1x16xf32> to vector<16xf32>
        %get3A_283 = arith.index_cast %scan3A_278 : i32 to index
        %get3A_284 = arith.constant 0 : index
        %get3A_285 = tpu.vector_load %arg11[%get3A_283, %get3A_284] {strides = array<i32>} : memref<80x64xf32, #tpu.memory_space<vmem>>, vector<1x16xf32>,
        %get3A_286 = vector.shape_cast %get3A_285 : vector<1x16xf32> to vector<16xf32>
        %sub3A_287 = arith.subf %get3A_282, %get3A_286 : vector<16xf32>
        %get3A_288 = arith.index_cast %scan3A_278 : i32 to index
        %get3A_289 = arith.constant 16 : index
        %get3A_290 = tpu.vector_load %arg9[%get3A_288, %get3A_289] {strides = array<i32>} : memref<80x64xf32, #tpu.memory_space<vmem>>, vector<1x16xf32>,
        %get3A_291 = vector.shape_cast %get3A_290 : vector<1x16xf32> to vector<16xf32>
        %get3A_292 = arith.index_cast %scan3A_278 : i32 to index
        %get3A_293 = arith.constant 16 : index
        %get3A_294 = tpu.vector_load %arg11[%get3A_292, %get3A_293] {strides = array<i32>} : memref<80x64xf32, #tpu.memory_space<vmem>>, vector<1x16xf32>,
        %get3A_295 = vector.shape_cast %get3A_294 : vector<1x16xf32> to vector<16xf32>
        %sub3A_296 = arith.subf %get3A_291, %get3A_295 : vector<16xf32>
        %get3A_297 = arith.index_cast %scan3A_278 : i32 to index
        %get3A_298 = arith.constant 32 : index
        %get3A_299 = tpu.vector_load %arg9[%get3A_297, %get3A_298] {strides = array<i32>} : memref<80x64xf32, #tpu.memory_space<vmem>>, vector<1x16xf32>,
        %get3A_300 = vector.shape_cast %get3A_299 : vector<1x16xf32> to vector<16xf32>
        %get3A_301 = arith.index_cast %scan3A_278 : i32 to index
        %get3A_302 = arith.constant 32 : index
        %get3A_303 = tpu.vector_load %arg11[%get3A_301, %get3A_302] {strides = array<i32>} : memref<80x64xf32, #tpu.memory_space<vmem>>, vector<1x16xf32>,
        %get3A_304 = vector.shape_cast %get3A_303 : vector<1x16xf32> to vector<16xf32>
        %sub3A_305 = arith.subf %get3A_300, %get3A_304 : vector<16xf32>
        %get3A_306 = arith.index_cast %scan3A_278 : i32 to index
        %get3A_307 = arith.constant 48 : index
        %get3A_308 = tpu.vector_load %arg9[%get3A_306, %get3A_307] {strides = array<i32>} : memref<80x64xf32, #tpu.memory_space<vmem>>, vector<1x16xf32>,
        %get3A_309 = vector.shape_cast %get3A_308 : vector<1x16xf32> to vector<16xf32>
        %get3A_310 = arith.index_cast %scan3A_278 : i32 to index
        %get3A_311 = arith.constant 48 : index
        %get3A_312 = tpu.vector_load %arg11[%get3A_310, %get3A_311] {strides = array<i32>} : memref<80x64xf32, #tpu.memory_space<vmem>>, vector<1x16xf32>,
        %get3A_313 = vector.shape_cast %get3A_312 : vector<1x16xf32> to vector<16xf32>
        %sub3A_314 = arith.subf %get3A_309, %get3A_313 : vector<16xf32>
        %mul3A_315 = arith.mulf %sub3A_287, %sub3A_287 : vector<16xf32>
        %add3A_316 = arith.addf %add3A_270, %mul3A_315 : vector<16xf32>
        %mul3A_317 = arith.mulf %sub3A_296, %sub3A_296 : vector<16xf32>
        %add3A_318 = arith.addf %add3A_272, %mul3A_317 : vector<16xf32>
        %mul3A_319 = arith.mulf %sub3A_305, %sub3A_305 : vector<16xf32>
        %add3A_320 = arith.addf %add3A_274, %mul3A_319 : vector<16xf32>
        %mul3A_321 = arith.mulf %sub3A_314, %sub3A_314 : vector<16xf32>
        %add3A_322 = arith.addf %add3A_276, %mul3A_321 : vector<16xf32>
        scf.yield %add3A_316, %add3A_318, %add3A_320, %add3A_322 : vector<16xf32>, vector<16xf32>, vector<16xf32>, vector<16xf32>
      }
      %scan3A_111 = arith.constant 80 : i32
      %add3A_112 = arith.constant 2 : i32
      %add3A_113 = arith.addi %mul3A_83, %add3A_112 : i32
      %lt3A_114 = arith.cmpi slt, %add3A_113, %min3A_27 : i32
      %convert_element_type3A_115 = arith.extui %lt3A_114 : i1 to i32
      %cond3A_116 = arith.constant 0 : i32
      %cond3A_117 = arith.cmpi ne, %convert_element_type3A_115, %cond3A_116 : i32
      scf.if %cond3A_117 {
        %add3A_137 = arith.constant 2 : i32
        %add3A_138 = arith.addi %mul3A_83, %add3A_137 : i32
        %mul3A_139 = arith.constant 80 : i32
        %mul3A_140 = arith.muli %add3A_138, %mul3A_139 : i32
        %multiple_of3A_141 = tpu.assume_multiple %mul3A_140, 8 : i32
        %dma_start3A_142 = tpu.memref_slice %arg7[%multiple_of3A_141] : memref<3200xi32, #tpu.memory_space<vmem>> -> memref<80xi32, #tpu.memory_space<vmem>>
        %dma_start3A_143 = arith.constant 0 : i32
        %dma_start3A_144 = arith.constant 0 : i32
        %dma_start3A_145 = tpu.memref_slice %arg2[%dma_start3A_143, %dma_start3A_144] : memref<100000x64xf32, #tpu.memory_space<hbm>> -> memref<100000x64xf32, #tpu.memory_space<hbm>>
        tpu.enqueue_indirect_dma source(%dma_start3A_145 : memref<100000x64xf32, #tpu.memory_space<hbm>>) target(%arg9 : memref<80x64xf32, #tpu.memory_space<vmem>>) offsets(%dma_start3A_142 : memref<80xi32, #tpu.memory_space<vmem>>) semaphore(%arg14 : memref<!tpu.dma_semaphore, #tpu.memory_space<semaphore_mem>>)
        %dma_start3A_146 = tpu.memref_slice %arg8[%multiple_of3A_141] : memref<3200xi32, #tpu.memory_space<vmem>> -> memref<80xi32, #tpu.memory_space<vmem>>
        %dma_start3A_147 = arith.constant 0 : i32
        %dma_start3A_148 = arith.constant 0 : i32
        %dma_start3A_149 = tpu.memref_slice %arg3[%dma_start3A_147, %dma_start3A_148] : memref<100000x64xf32, #tpu.memory_space<hbm>> -> memref<100000x64xf32, #tpu.memory_space<hbm>>
        tpu.enqueue_indirect_dma source(%dma_start3A_149 : memref<100000x64xf32, #tpu.memory_space<hbm>>) target(%arg11 : memref<80x64xf32, #tpu.memory_space<vmem>>) offsets(%dma_start3A_146 : memref<80xi32, #tpu.memory_space<vmem>>) semaphore(%arg14 : memref<!tpu.dma_semaphore, #tpu.memory_space<semaphore_mem>>)
      } else {
      }
      %add3A_118 = arith.constant 1 : i32
      %add3A_119 = arith.addi %mul3A_83, %add3A_118 : i32
      %mul3A_120 = arith.constant 80 : i32
      %mul3A_121 = arith.muli %add3A_119, %mul3A_120 : i32
      %multiple_of3A_122 = tpu.assume_multiple %mul3A_121, 8 : i32
      %dma_wait3A_123 = tpu.memref_slice %arg7[%multiple_of3A_122] : memref<3200xi32, #tpu.memory_space<vmem>> -> memref<80xi32, #tpu.memory_space<vmem>>
      %dma_wait3A_124 = arith.constant 0 : i32
      %dma_wait3A_125 = arith.constant 0 : i32
      %dma_wait3A_126 = tpu.memref_slice %arg2[%dma_wait3A_124, %dma_wait3A_125] : memref<100000x64xf32, #tpu.memory_space<hbm>> -> memref<100000x64xf32, #tpu.memory_space<hbm>>
      tpu.wait_indirect_dma semaphore(%arg15 : memref<!tpu.dma_semaphore, #tpu.memory_space<semaphore_mem>>) src(%dma_wait3A_126 : memref<100000x64xf32, #tpu.memory_space<hbm>>) dst(%arg10 : memref<80x64xf32, #tpu.memory_space<vmem>>)
      %dma_wait3A_127 = tpu.memref_slice %arg8[%multiple_of3A_122] : memref<3200xi32, #tpu.memory_space<vmem>> -> memref<80xi32, #tpu.memory_space<vmem>>
      %dma_wait3A_128 = arith.constant 0 : i32
      %dma_wait3A_129 = arith.constant 0 : i32
      %dma_wait3A_130 = tpu.memref_slice %arg3[%dma_wait3A_128, %dma_wait3A_129] : memref<100000x64xf32, #tpu.memory_space<hbm>> -> memref<100000x64xf32, #tpu.memory_space<hbm>>
      tpu.wait_indirect_dma semaphore(%arg15 : memref<!tpu.dma_semaphore, #tpu.memory_space<semaphore_mem>>) src(%dma_wait3A_130 : memref<100000x64xf32, #tpu.memory_space<hbm>>) dst(%arg12 : memref<80x64xf32, #tpu.memory_space<vmem>>)
      %scan3A_131 = arith.constant 0 : i32
      %scan3A_132 = arith.constant 80 : i32
      %scan3A_133 = arith.addi %scan3A_131, %scan3A_132 : i32
      %scan3A_134 = arith.constant 4 : i32
      %scan3A_135:4 = scf.for %scan3A_137 = %scan3A_131 to %scan3A_133 step %scan3A_134 iter_args(%scan3A_138 = %scan3A_110#0, %scan3A_139 = %scan3A_110#1, %scan3A_140 = %scan3A_110#2, %scan3A_141 = %scan3A_110#3) -> (vector<16xf32>, vector<16xf32>, vector<16xf32>, vector<16xf32>)  : i32 {
        %get3A = arith.index_cast %scan3A_137 : i32 to index
        %get3A_142 = arith.constant 0 : index
        %get3A_143 = tpu.vector_load %arg10[%get3A, %get3A_142] {strides = array<i32>} : memref<80x64xf32, #tpu.memory_space<vmem>>, vector<1x16xf32>,
        %get3A_144 = vector.shape_cast %get3A_143 : vector<1x16xf32> to vector<16xf32>
        %get3A_145 = arith.index_cast %scan3A_137 : i32 to index
        %get3A_146 = arith.constant 0 : index
        %get3A_147 = tpu.vector_load %arg12[%get3A_145, %get3A_146] {strides = array<i32>} : memref<80x64xf32, #tpu.memory_space<vmem>>, vector<1x16xf32>,
        %get3A_148 = vector.shape_cast %get3A_147 : vector<1x16xf32> to vector<16xf32>
        %sub3A_149 = arith.subf %get3A_144, %get3A_148 : vector<16xf32>
        %get3A_150 = arith.index_cast %scan3A_137 : i32 to index
        %get3A_151 = arith.constant 16 : index
        %get3A_152 = tpu.vector_load %arg10[%get3A_150, %get3A_151] {strides = array<i32>} : memref<80x64xf32, #tpu.memory_space<vmem>>, vector<1x16xf32>,
        %get3A_153 = vector.shape_cast %get3A_152 : vector<1x16xf32> to vector<16xf32>
        %get3A_154 = arith.index_cast %scan3A_137 : i32 to index
        %get3A_155 = arith.constant 16 : index
        %get3A_156 = tpu.vector_load %arg12[%get3A_154, %get3A_155] {strides = array<i32>} : memref<80x64xf32, #tpu.memory_space<vmem>>, vector<1x16xf32>,
        %get3A_157 = vector.shape_cast %get3A_156 : vector<1x16xf32> to vector<16xf32>
        %sub3A_158 = arith.subf %get3A_153, %get3A_157 : vector<16xf32>
        %get3A_159 = arith.index_cast %scan3A_137 : i32 to index
        %get3A_160 = arith.constant 32 : index
        %get3A_161 = tpu.vector_load %arg10[%get3A_159, %get3A_160] {strides = array<i32>} : memref<80x64xf32, #tpu.memory_space<vmem>>, vector<1x16xf32>,
        %get3A_162 = vector.shape_cast %get3A_161 : vector<1x16xf32> to vector<16xf32>
        %get3A_163 = arith.index_cast %scan3A_137 : i32 to index
        %get3A_164 = arith.constant 32 : index
        %get3A_165 = tpu.vector_load %arg12[%get3A_163, %get3A_164] {strides = array<i32>} : memref<80x64xf32, #tpu.memory_space<vmem>>, vector<1x16xf32>,
        %get3A_166 = vector.shape_cast %get3A_165 : vector<1x16xf32> to vector<16xf32>
        %sub3A_167 = arith.subf %get3A_162, %get3A_166 : vector<16xf32>
        %get3A_168 = arith.index_cast %scan3A_137 : i32 to index
        %get3A_169 = arith.constant 48 : index
        %get3A_170 = tpu.vector_load %arg10[%get3A_168, %get3A_169] {strides = array<i32>} : memref<80x64xf32, #tpu.memory_space<vmem>>, vector<1x16xf32>,
        %get3A_171 = vector.shape_cast %get3A_170 : vector<1x16xf32> to vector<16xf32>
        %get3A_172 = arith.index_cast %scan3A_137 : i32 to index
        %get3A_173 = arith.constant 48 : index
        %get3A_174 = tpu.vector_load %arg12[%get3A_172, %get3A_173] {strides = array<i32>} : memref<80x64xf32, #tpu.memory_space<vmem>>, vector<1x16xf32>,
        %get3A_175 = vector.shape_cast %get3A_174 : vector<1x16xf32> to vector<16xf32>
        %sub3A_176 = arith.subf %get3A_171, %get3A_175 : vector<16xf32>
        %mul3A_177 = arith.mulf %sub3A_149, %sub3A_149 : vector<16xf32>
        %add3A_178 = arith.addf %scan3A_138, %mul3A_177 : vector<16xf32>
        %mul3A_179 = arith.mulf %sub3A_158, %sub3A_158 : vector<16xf32>
        %add3A_180 = arith.addf %scan3A_139, %mul3A_179 : vector<16xf32>
        %mul3A_181 = arith.mulf %sub3A_167, %sub3A_167 : vector<16xf32>
        %add3A_182 = arith.addf %scan3A_140, %mul3A_181 : vector<16xf32>
        %mul3A_183 = arith.mulf %sub3A_176, %sub3A_176 : vector<16xf32>
        %add3A_184 = arith.addf %scan3A_141, %mul3A_183 : vector<16xf32>
        %scan3A_185 = arith.constant 1 : i32
        %scan3A_186 = arith.addi %scan3A_137, %scan3A_185 : i32
        %get3A_187 = arith.index_cast %scan3A_186 : i32 to index
        %get3A_188 = arith.constant 0 : index
        %get3A_189 = tpu.vector_load %arg10[%get3A_187, %get3A_188] {strides = array<i32>} : memref<80x64xf32, #tpu.memory_space<vmem>>, vector<1x16xf32>,
        %get3A_190 = vector.shape_cast %get3A_189 : vector<1x16xf32> to vector<16xf32>
        %get3A_191 = arith.index_cast %scan3A_186 : i32 to index
        %get3A_192 = arith.constant 0 : index
        %get3A_193 = tpu.vector_load %arg12[%get3A_191, %get3A_192] {strides = array<i32>} : memref<80x64xf32, #tpu.memory_space<vmem>>, vector<1x16xf32>,
        %get3A_194 = vector.shape_cast %get3A_193 : vector<1x16xf32> to vector<16xf32>
        %sub3A_195 = arith.subf %get3A_190, %get3A_194 : vector<16xf32>
        %get3A_196 = arith.index_cast %scan3A_186 : i32 to index
        %get3A_197 = arith.constant 16 : index
        %get3A_198 = tpu.vector_load %arg10[%get3A_196, %get3A_197] {strides = array<i32>} : memref<80x64xf32, #tpu.memory_space<vmem>>, vector<1x16xf32>,
        %get3A_199 = vector.shape_cast %get3A_198 : vector<1x16xf32> to vector<16xf32>
        %get3A_200 = arith.index_cast %scan3A_186 : i32 to index
        %get3A_201 = arith.constant 16 : index
        %get3A_202 = tpu.vector_load %arg12[%get3A_200, %get3A_201] {strides = array<i32>} : memref<80x64xf32, #tpu.memory_space<vmem>>, vector<1x16xf32>,
        %get3A_203 = vector.shape_cast %get3A_202 : vector<1x16xf32> to vector<16xf32>
        %sub3A_204 = arith.subf %get3A_199, %get3A_203 : vector<16xf32>
        %get3A_205 = arith.index_cast %scan3A_186 : i32 to index
        %get3A_206 = arith.constant 32 : index
        %get3A_207 = tpu.vector_load %arg10[%get3A_205, %get3A_206] {strides = array<i32>} : memref<80x64xf32, #tpu.memory_space<vmem>>, vector<1x16xf32>,
        %get3A_208 = vector.shape_cast %get3A_207 : vector<1x16xf32> to vector<16xf32>
        %get3A_209 = arith.index_cast %scan3A_186 : i32 to index
        %get3A_210 = arith.constant 32 : index
        %get3A_211 = tpu.vector_load %arg12[%get3A_209, %get3A_210] {strides = array<i32>} : memref<80x64xf32, #tpu.memory_space<vmem>>, vector<1x16xf32>,
        %get3A_212 = vector.shape_cast %get3A_211 : vector<1x16xf32> to vector<16xf32>
        %sub3A_213 = arith.subf %get3A_208, %get3A_212 : vector<16xf32>
        %get3A_214 = arith.index_cast %scan3A_186 : i32 to index
        %get3A_215 = arith.constant 48 : index
        %get3A_216 = tpu.vector_load %arg10[%get3A_214, %get3A_215] {strides = array<i32>} : memref<80x64xf32, #tpu.memory_space<vmem>>, vector<1x16xf32>,
        %get3A_217 = vector.shape_cast %get3A_216 : vector<1x16xf32> to vector<16xf32>
        %get3A_218 = arith.index_cast %scan3A_186 : i32 to index
        %get3A_219 = arith.constant 48 : index
        %get3A_220 = tpu.vector_load %arg12[%get3A_218, %get3A_219] {strides = array<i32>} : memref<80x64xf32, #tpu.memory_space<vmem>>, vector<1x16xf32>,
        %get3A_221 = vector.shape_cast %get3A_220 : vector<1x16xf32> to vector<16xf32>
        %sub3A_222 = arith.subf %get3A_217, %get3A_221 : vector<16xf32>
        %mul3A_223 = arith.mulf %sub3A_195, %sub3A_195 : vector<16xf32>
        %add3A_224 = arith.addf %add3A_178, %mul3A_223 : vector<16xf32>
        %mul3A_225 = arith.mulf %sub3A_204, %sub3A_204 : vector<16xf32>
        %add3A_226 = arith.addf %add3A_180, %mul3A_225 : vector<16xf32>
        %mul3A_227 = arith.mulf %sub3A_213, %sub3A_213 : vector<16xf32>
        %add3A_228 = arith.addf %add3A_182, %mul3A_227 : vector<16xf32>
        %mul3A_229 = arith.mulf %sub3A_222, %sub3A_222 : vector<16xf32>
        %add3A_230 = arith.addf %add3A_184, %mul3A_229 : vector<16xf32>
        %scan3A_231 = arith.constant 2 : i32
        %scan3A_232 = arith.addi %scan3A_137, %scan3A_231 : i32
        %get3A_233 = arith.index_cast %scan3A_232 : i32 to index
        %get3A_234 = arith.constant 0 : index
        %get3A_235 = tpu.vector_load %arg10[%get3A_233, %get3A_234] {strides = array<i32>} : memref<80x64xf32, #tpu.memory_space<vmem>>, vector<1x16xf32>,
        %get3A_236 = vector.shape_cast %get3A_235 : vector<1x16xf32> to vector<16xf32>
        %get3A_237 = arith.index_cast %scan3A_232 : i32 to index
        %get3A_238 = arith.constant 0 : index
        %get3A_239 = tpu.vector_load %arg12[%get3A_237, %get3A_238] {strides = array<i32>} : memref<80x64xf32, #tpu.memory_space<vmem>>, vector<1x16xf32>,
        %get3A_240 = vector.shape_cast %get3A_239 : vector<1x16xf32> to vector<16xf32>
        %sub3A_241 = arith.subf %get3A_236, %get3A_240 : vector<16xf32>
        %get3A_242 = arith.index_cast %scan3A_232 : i32 to index
        %get3A_243 = arith.constant 16 : index
        %get3A_244 = tpu.vector_load %arg10[%get3A_242, %get3A_243] {strides = array<i32>} : memref<80x64xf32, #tpu.memory_space<vmem>>, vector<1x16xf32>,
        %get3A_245 = vector.shape_cast %get3A_244 : vector<1x16xf32> to vector<16xf32>
        %get3A_246 = arith.index_cast %scan3A_232 : i32 to index
        %get3A_247 = arith.constant 16 : index
        %get3A_248 = tpu.vector_load %arg12[%get3A_246, %get3A_247] {strides = array<i32>} : memref<80x64xf32, #tpu.memory_space<vmem>>, vector<1x16xf32>,
        %get3A_249 = vector.shape_cast %get3A_248 : vector<1x16xf32> to vector<16xf32>
        %sub3A_250 = arith.subf %get3A_245, %get3A_249 : vector<16xf32>
        %get3A_251 = arith.index_cast %scan3A_232 : i32 to index
        %get3A_252 = arith.constant 32 : index
        %get3A_253 = tpu.vector_load %arg10[%get3A_251, %get3A_252] {strides = array<i32>} : memref<80x64xf32, #tpu.memory_space<vmem>>, vector<1x16xf32>,
        %get3A_254 = vector.shape_cast %get3A_253 : vector<1x16xf32> to vector<16xf32>
        %get3A_255 = arith.index_cast %scan3A_232 : i32 to index
        %get3A_256 = arith.constant 32 : index
        %get3A_257 = tpu.vector_load %arg12[%get3A_255, %get3A_256] {strides = array<i32>} : memref<80x64xf32, #tpu.memory_space<vmem>>, vector<1x16xf32>,
        %get3A_258 = vector.shape_cast %get3A_257 : vector<1x16xf32> to vector<16xf32>
        %sub3A_259 = arith.subf %get3A_254, %get3A_258 : vector<16xf32>
        %get3A_260 = arith.index_cast %scan3A_232 : i32 to index
        %get3A_261 = arith.constant 48 : index
        %get3A_262 = tpu.vector_load %arg10[%get3A_260, %get3A_261] {strides = array<i32>} : memref<80x64xf32, #tpu.memory_space<vmem>>, vector<1x16xf32>,
        %get3A_263 = vector.shape_cast %get3A_262 : vector<1x16xf32> to vector<16xf32>
        %get3A_264 = arith.index_cast %scan3A_232 : i32 to index
        %get3A_265 = arith.constant 48 : index
        %get3A_266 = tpu.vector_load %arg12[%get3A_264, %get3A_265] {strides = array<i32>} : memref<80x64xf32, #tpu.memory_space<vmem>>, vector<1x16xf32>,
        %get3A_267 = vector.shape_cast %get3A_266 : vector<1x16xf32> to vector<16xf32>
        %sub3A_268 = arith.subf %get3A_263, %get3A_267 : vector<16xf32>
        %mul3A_269 = arith.mulf %sub3A_241, %sub3A_241 : vector<16xf32>
        %add3A_270 = arith.addf %add3A_224, %mul3A_269 : vector<16xf32>
        %mul3A_271 = arith.mulf %sub3A_250, %sub3A_250 : vector<16xf32>
        %add3A_272 = arith.addf %add3A_226, %mul3A_271 : vector<16xf32>
        %mul3A_273 = arith.mulf %sub3A_259, %sub3A_259 : vector<16xf32>
        %add3A_274 = arith.addf %add3A_228, %mul3A_273 : vector<16xf32>
        %mul3A_275 = arith.mulf %sub3A_268, %sub3A_268 : vector<16xf32>
        %add3A_276 = arith.addf %add3A_230, %mul3A_275 : vector<16xf32>
        %scan3A_277 = arith.constant 3 : i32
        %scan3A_278 = arith.addi %scan3A_137, %scan3A_277 : i32
        %get3A_279 = arith.index_cast %scan3A_278 : i32 to index
        %get3A_280 = arith.constant 0 : index
        %get3A_281 = tpu.vector_load %arg10[%get3A_279, %get3A_280] {strides = array<i32>} : memref<80x64xf32, #tpu.memory_space<vmem>>, vector<1x16xf32>,
        %get3A_282 = vector.shape_cast %get3A_281 : vector<1x16xf32> to vector<16xf32>
        %get3A_283 = arith.index_cast %scan3A_278 : i32 to index
        %get3A_284 = arith.constant 0 : index
        %get3A_285 = tpu.vector_load %arg12[%get3A_283, %get3A_284] {strides = array<i32>} : memref<80x64xf32, #tpu.memory_space<vmem>>, vector<1x16xf32>,
        %get3A_286 = vector.shape_cast %get3A_285 : vector<1x16xf32> to vector<16xf32>
        %sub3A_287 = arith.subf %get3A_282, %get3A_286 : vector<16xf32>
        %get3A_288 = arith.index_cast %scan3A_278 : i32 to index
        %get3A_289 = arith.constant 16 : index
        %get3A_290 = tpu.vector_load %arg10[%get3A_288, %get3A_289] {strides = array<i32>} : memref<80x64xf32, #tpu.memory_space<vmem>>, vector<1x16xf32>,
        %get3A_291 = vector.shape_cast %get3A_290 : vector<1x16xf32> to vector<16xf32>
        %get3A_292 = arith.index_cast %scan3A_278 : i32 to index
        %get3A_293 = arith.constant 16 : index
        %get3A_294 = tpu.vector_load %arg12[%get3A_292, %get3A_293] {strides = array<i32>} : memref<80x64xf32, #tpu.memory_space<vmem>>, vector<1x16xf32>,
        %get3A_295 = vector.shape_cast %get3A_294 : vector<1x16xf32> to vector<16xf32>
        %sub3A_296 = arith.subf %get3A_291, %get3A_295 : vector<16xf32>
        %get3A_297 = arith.index_cast %scan3A_278 : i32 to index
        %get3A_298 = arith.constant 32 : index
        %get3A_299 = tpu.vector_load %arg10[%get3A_297, %get3A_298] {strides = array<i32>} : memref<80x64xf32, #tpu.memory_space<vmem>>, vector<1x16xf32>,
        %get3A_300 = vector.shape_cast %get3A_299 : vector<1x16xf32> to vector<16xf32>
        %get3A_301 = arith.index_cast %scan3A_278 : i32 to index
        %get3A_302 = arith.constant 32 : index
        %get3A_303 = tpu.vector_load %arg12[%get3A_301, %get3A_302] {strides = array<i32>} : memref<80x64xf32, #tpu.memory_space<vmem>>, vector<1x16xf32>,
        %get3A_304 = vector.shape_cast %get3A_303 : vector<1x16xf32> to vector<16xf32>
        %sub3A_305 = arith.subf %get3A_300, %get3A_304 : vector<16xf32>
        %get3A_306 = arith.index_cast %scan3A_278 : i32 to index
        %get3A_307 = arith.constant 48 : index
        %get3A_308 = tpu.vector_load %arg10[%get3A_306, %get3A_307] {strides = array<i32>} : memref<80x64xf32, #tpu.memory_space<vmem>>, vector<1x16xf32>,
        %get3A_309 = vector.shape_cast %get3A_308 : vector<1x16xf32> to vector<16xf32>
        %get3A_310 = arith.index_cast %scan3A_278 : i32 to index
        %get3A_311 = arith.constant 48 : index
        %get3A_312 = tpu.vector_load %arg12[%get3A_310, %get3A_311] {strides = array<i32>} : memref<80x64xf32, #tpu.memory_space<vmem>>, vector<1x16xf32>,
        %get3A_313 = vector.shape_cast %get3A_312 : vector<1x16xf32> to vector<16xf32>
        %sub3A_314 = arith.subf %get3A_309, %get3A_313 : vector<16xf32>
        %mul3A_315 = arith.mulf %sub3A_287, %sub3A_287 : vector<16xf32>
        %add3A_316 = arith.addf %add3A_270, %mul3A_315 : vector<16xf32>
        %mul3A_317 = arith.mulf %sub3A_296, %sub3A_296 : vector<16xf32>
        %add3A_318 = arith.addf %add3A_272, %mul3A_317 : vector<16xf32>
        %mul3A_319 = arith.mulf %sub3A_305, %sub3A_305 : vector<16xf32>
        %add3A_320 = arith.addf %add3A_274, %mul3A_319 : vector<16xf32>
        %mul3A_321 = arith.mulf %sub3A_314, %sub3A_314 : vector<16xf32>
        %add3A_322 = arith.addf %add3A_276, %mul3A_321 : vector<16xf32>
        scf.yield %add3A_316, %add3A_318, %add3A_320, %add3A_322 : vector<16xf32>, vector<16xf32>, vector<16xf32>, vector<16xf32>
      }
      %scan3A_136 = arith.constant 80 : i32
      scf.yield %scan3A_135#0, %scan3A_135#1, %scan3A_135#2, %scan3A_135#3 : vector<16xf32>, vector<16xf32>, vector<16xf32>, vector<16xf32>
    }
    %add3A_71 = arith.addf %while3A_70#0, %while3A_70#1 : vector<16xf32>
    %add3A_72 = arith.addf %while3A_70#2, %while3A_70#3 : vector<16xf32>
    %add3A_73 = arith.addf %add3A_71, %add3A_72 : vector<16xf32>
    %swap3A = arith.constant 0 : index
    %swap3A_74 = tpu.vector_load %arg13[%swap3A] {strides = array<i32>} : memref<16xf32, #tpu.memory_space<vmem>>, vector<16xf32>,
    %swap3A_75 = vector.shape_cast %swap3A_74 : vector<16xf32> to vector<16xf32>
    %swap3A_76 = vector.shape_cast %add3A_73 : vector<16xf32> to vector<16xf32>
    tpu.vector_store %arg13[%swap3A], %swap3A_76 {strides = array<i32>} : memref<16xf32, #tpu.memory_space<vmem>>, vector<16xf32>,
    "tpu.region"() ({
      %run_scoped3A = tpu.sem_alloc : memref<!tpu.dma_semaphore, #tpu.memory_space<semaphore_mem>>
      %dma_start3A_77 = arith.constant 0 : i32
      %dma_start3A_78 = tpu.memref_slice %arg6[%add3A, %dma_start3A_77] : memref<32x16xf32, #tpu.memory_space<hbm>> -> memref<1x16xf32, #tpu.memory_space<hbm>>
      %dma_start3A_79 = tpu.memref_squeeze %dma_start3A_78 : memref<1x16xf32, #tpu.memory_space<hbm>> -> memref<16xf32, #tpu.memory_space<hbm>>
      %dma_start3A_80 = arith.constant 0 : i32
      %dma_start3A_81 = tpu.memref_slice %arg6[%add3A, %dma_start3A_80] : memref<32x16xf32, #tpu.memory_space<hbm>> -> memref<1x16xf32, #tpu.memory_space<hbm>>
      %dma_start3A_82 = tpu.memref_squeeze %dma_start3A_81 : memref<1x16xf32, #tpu.memory_space<hbm>> -> memref<16xf32, #tpu.memory_space<hbm>>
      tpu.enqueue_dma source(%arg13 : memref<16xf32, #tpu.memory_space<vmem>>) target(%dma_start3A_82 : memref<16xf32, #tpu.memory_space<hbm>>) target_semaphore(%run_scoped3A : memref<!tpu.dma_semaphore, #tpu.memory_space<semaphore_mem>>)
      %dma_wait3A = arith.constant 0 : i32
      %dma_wait3A_83 = tpu.memref_slice %arg6[%add3A, %dma_wait3A] : memref<32x16xf32, #tpu.memory_space<hbm>> -> memref<1x16xf32, #tpu.memory_space<hbm>>
      %dma_wait3A_84 = tpu.memref_squeeze %dma_wait3A_83 : memref<1x16xf32, #tpu.memory_space<hbm>> -> memref<16xf32, #tpu.memory_space<hbm>>
      %dma_wait3A_85 = arith.constant 0 : i32
      %dma_wait3A_86 = tpu.memref_slice %arg6[%add3A, %dma_wait3A_85] : memref<32x16xf32, #tpu.memory_space<hbm>> -> memref<1x16xf32, #tpu.memory_space<hbm>>
      %dma_wait3A_87 = tpu.memref_squeeze %dma_wait3A_86 : memref<1x16xf32, #tpu.memory_space<hbm>> -> memref<16xf32, #tpu.memory_space<hbm>>
      tpu.wait_dma2 semaphore(%run_scoped3A : memref<!tpu.dma_semaphore, #tpu.memory_space<semaphore_mem>>) src(%arg13 : memref<16xf32, #tpu.memory_space<vmem>>) dst(%dma_wait3A_87 : memref<16xf32, #tpu.memory_space<hbm>>)
      tpu.yield
    }) : () -> ()
    return
  }
}

</mosaic_0001>

<sc_bundles>
// kernel: kernel.3.cloned.1.call-start
scs
__scs_entry_jumppad:
0x0: {  	(pc) =	sbr.rel $0x88, $3  }
0x1: {  	(tag) =	ssettag $0x0;
	lr =	simm.s32 $0x1  }
0x2: {  	[smem:$0x3F9D] =	sst lr;
	_ =	strace $0xD0000000  }
0x3: {  	_ = 	snop  }
0x4: {  	_ = 	snop  }
0x5: {  	_ = 	snop  }
0x6: {  	_ = 	snop  }
0x7: {  	_ = 	snop  }
__scs_overlays_trampoline_lowered:
0x8: {  	[smem:$0x3FAC] =	sst s0  }
0x9: {  	[smem:$0x3FAD] =	sst s1  }
0xa: {  	[smem:$0x3FAE] =	sst s2  }
0xb: {  	[smem:$0x3FAF] =	sst s3  }
0xc: {  	[smem:$0x3FB0] =	sst s4  }
0xd: {  	[smem:$0x3FB1] =	sst s5  }
0xe: {  	[smem:$0x3FB2] =	sst s6  }
0xf: {  	[smem:$0x3FB3] =	sst s7  }
0x10: {  	[smem:$0x3FB4] =	sst s8  }
0x11: {  	[smem:$0x3FB5] =	sst s9;
	s0 =	simm.s32 @!p0 $0x0  }
0x12: {  	s1 =	sld [smem:$0x3F9B];
	s0 =	simm.s32 @p0 $0x1  }
0x13: {  	[smem:$0x3FB6] =	sst s0;
	s0 =	simm.s32 @!p1 $0x0  }
0x14: {  	s2 =	sld [smem:$0x3F9A];
	s0 =	simm.s32 @p1 $0x1  }
0x15: {  	[smem:$0x3FB7] =	sst s0;
	s0 =	simm.s32 @!p2 $0x0  }
0x16: {  	s3 =	sld [smem:$0x3FDB];
	s0 =	simm.s32 @p2 $0x1  }
0x17: {  	s4 =	simm.s32 $0x1BF5;
	[smem:$0x3FB9] =	sst s0  }
0x18: {  	s0 =	sld [smem:$0x3F9C];
	_ =	swait.ge [sflag:s4], $0x0  }
0x19: {  	s7 =	sld [smem:$0x3F9D]  }
0x1a: {  	s8 =	sadd.s32 $0xFFFFE003, lr  }
0x1b: {  	s9 =	sadd.s32 $0xFFFFFEF7, lr;
	s5 =	simm.s32 $0xFFFFFFFF;
	p2 =	slt.u32 s8, $0xFFFFF086  }
0x1c: {  	p1 =	slt.u32 s9, $0xF7A;
	s5 =	simm.s32 @!p2 $0x0  }
0x1d: {  	s5 =	simm.s32 @p1 $0x1;
	p0 =	seq.s32 s7, s2  }
0x1e: {  	s7 =	smul.u32 @!p0 $0xF7A, s2;
	p2 =	seq.s32 @!p0 s5, $0x0  }
0x1f: {  	s9 =	smul.u32 $0xF7A, s1;
	s8 =	simm.s32 @!p0 $0x1BF5;
	p2 =	por !p2, p0  }
0x20: {  	[sflag:s8] =	ssyncset.s32 @!p0 $0xFFFFF086;
	s6 =	sadd.s32 @!p0 s3, s7;
	s7 =	simm.s32 @!p0 $0x108  }
0x21: {  	s3 =	sadd.s32 s3, s9;
	s6 =	sadd.s32 @!p0 $0x88, s6;
	s7 =	simm.s32 @p2 $0x1082  }
0x22: {  	[simem:s7], [sflag:s8] =	dma.local @!p0 [hbm:s6], $0xF7A  }
0x23: {  	s9 =	sor.u32 $0xD0000000, s2;
	s6 =	simm.s32 $0x108;
	_ =	swait.ge @!p0 [sflag:s8], $0x0  }
0x24: {  	s3 =	sadd.s32 $0x88, s3;
	s6 =	simm.s32 @!p1 $0x1082;
	[sflag:s4] =	ssyncset.s32 $0xFFFFF086  }
0x25: {  	[simem:s6], [sflag:s4] =	dma.local [hbm:s3], $0xF7A  }
0x26: {  	[smem:$0x3F9D] =	sst s1;
	(tag) =	ssettag s2;
	_ =	strace s9  }
0x27: {  	s1 =	sld [smem:$0x3FAD]  }
0x28: {  	s2 =	sld [smem:$0x3FAE]  }
0x29: {  	s4 =	sld [smem:$0x3FB0]  }
0x2a: {  	p0 =	seq.s32 s5, $0x0;
	s5 =	sld [smem:$0x3FB1]  }
0x2b: {  	s6 =	sld [smem:$0x3FB2]  }
0x2c: {  	s7 =	sld [smem:$0x3FB3]  }
0x2d: {  	s3 =	simm.s32 $0x108;
	s8 =	sld [smem:$0x3FB4]  }
0x2e: {  	s3 =	simm.s32 @!p0 $0x1082;
	s9 =	sld [smem:$0x3FB5]  }
0x2f: {  	lr =	sadd.s32 s0, s3;
	s0 =	sld [smem:$0x3FAC]  }
0x30: {  	s3 =	sld [smem:$0x3FAF]  }
0x31: {  	[smem:$0x3FB8] =	sst s10  }
0x32: {  	s10 =	sld [smem:$0x3FB6];
	_ =	sdelay $0x3  }
0x33: {  	p0 =	seq.s32 s10, $0x1;
	s10 =	sld [smem:$0x3FB8];
	_ =	sdelay $0x3  }
0x34: {  	[smem:$0x3FB8] =	sst s10  }
0x35: {  	s10 =	sld [smem:$0x3FB7];
	_ =	sdelay $0x3  }
0x36: {  	p1 =	seq.s32 s10, $0x1;
	s10 =	sld [smem:$0x3FB8];
	_ =	sdelay $0x3  }
0x37: {  	[smem:$0x3FB8] =	sst s10  }
0x38: {  	s10 =	sld [smem:$0x3FB9]  }
0x39: {  	_ = 	snop;
	(pc) =	sbr.ind lr, $3  }
0x3a: {  	_ = 	snop  }
0x3b: {  	_ = 	snop  }
0x3c: {  	p2 =	seq.s32 s10, $0x1;
	s10 =	sld [smem:$0x3FB8]  }
0x3d: {  	_ =	shalt  }
0x3e: {  	_ =	shalt  }
0x3f: {  	_ =	shalt  }
0x40: {  	_ =	shalt  }
0x41: {  	_ =	shalt  }
0x42: {  	_ =	shalt  }
0x43: {  	_ =	shalt  }
0x44: {  	_ =	shalt  }
0x45: {  	_ =	shalt  }
0x46: {  	_ =	shalt  }
0x47: {  	_ =	shalt  }
0x48: {  	_ =	shalt  }
0x49: {  	_ =	shalt  }
0x4a: {  	_ =	shalt  }
0x4b: {  	_ =	shalt  }
0x4c: {  	_ =	shalt  }
0x4d: {  	_ =	shalt  }
0x4e: {  	_ =	shalt  }
0x4f: {  	_ =	shalt  }
0x50: {  	_ =	shalt  }
0x51: {  	_ =	shalt  }
0x52: {  	_ =	shalt  }
0x53: {  	_ =	shalt  }
0x54: {  	_ =	shalt  }
0x55: {  	_ =	shalt  }
0x56: {  	_ =	shalt  }
0x57: {  	_ =	shalt  }
0x58: {  	_ =	shalt  }
0x59: {  	_ =	shalt  }
0x5a: {  	_ =	shalt  }
0x5b: {  	_ =	shalt  }
0x5c: {  	_ =	shalt  }
0x5d: {  	_ =	shalt  }
0x5e: {  	_ =	shalt  }
0x5f: {  	_ =	shalt  }
0x60: {  	_ =	shalt  }
0x61: {  	_ =	shalt  }
0x62: {  	_ =	shalt  }
0x63: {  	_ =	shalt  }
0x64: {  	_ =	shalt  }
0x65: {  	_ =	shalt  }
0x66: {  	_ =	shalt  }
0x67: {  	_ =	shalt  }
0x68: {  	_ =	shalt  }
0x69: {  	_ =	shalt  }
0x6a: {  	_ =	shalt  }
0x6b: {  	_ =	shalt  }
0x6c: {  	_ =	shalt  }
0x6d: {  	_ =	shalt  }
0x6e: {  	_ =	shalt  }
0x6f: {  	_ =	shalt  }
0x70: {  	_ =	shalt  }
0x71: {  	_ =	shalt  }
0x72: {  	_ =	shalt  }
0x73: {  	_ =	shalt  }
0x74: {  	_ =	shalt  }
0x75: {  	_ =	shalt  }
0x76: {  	_ =	shalt  }
0x77: {  	_ =	shalt  }
0x78: {  	_ =	shalt  }
0x79: {  	_ =	shalt  }
0x7a: {  	_ =	shalt  }
0x7b: {  	_ =	shalt  }
0x7c: {  	_ =	shalt  }
0x7d: {  	_ =	shalt  }
0x7e: {  	_ =	shalt  }
0x7f: {  	_ =	shalt  }
0x80: {  	_ =	shalt  }
0x81: {  	_ =	shalt  }
0x82: {  	_ =	shalt  }
0x83: {  	_ =	shalt  }
0x84: {  	_ =	shalt  }
0x85: {  	_ =	shalt  }
0x86: {  	_ =	shalt  }
0x87: {  	_ =	shalt  }
.Lfunc_end0:
.L_simem_size_0:
called_computation_lowered:
.L_overlay_start_0:
0x88: {  	s2 =	sld [smem:$0x3FD9]  }
0x89: {  	s3 =	sld [smem:$0x3FFE];
	_ =	sdelay $0x1  }
0x8a: {  	s1 =	srdreg.scid  }
0x8b: {  	s0 =	sand.u32 $0x1, s1  }
0x8c: {  	s17 =	sshll.u32 s0, $0xA;
	s2 =	sadd.s32 s3, s2  }
0x8d: {  	s2 =	sadd.s32 s2, s17  }
0x8e: {  	[smem:$0x3FC4] =	sst s2  }
0x8f: {  	_ = 	snop  }
0x90: {  	s2 =	sld [smem:$0x3FC7]  }
0x91: {  	s18 =	sld [smem:$0x3FC6];
	(tm) =	ssettm $0x1  }
0x92: {  	s4 =	sld [smem:$0x3FFB];
	_ =	sdelay $0x3  }
0x93: {  	_ =	strace s4  }
0x94: {  	s4 =	sld [smem:$0x3FFC];
	_ =	sdelay $0x3  }
0x95: {  	_ =	strace s4  }
0x96: {  	s4 =	sld [smem:$0x3FFD];
	_ =	sdelay $0x3  }
0x97: {  	_ =	strace s4  }
0x98: {  	_ =	strace $0x8FFFFFFF  }
0x99: {  	s19 =	sld [smem:$0x3FDB];
	_ =	sdelay $0x1  }
0x9a: {  	s5 =	simm.s32 $_scs_section_size  }
0x9b: {  	s6 =	simm.s32 $_size__tile_overlayer_lowered;
	s7 =	simm.s32 $_tile_overlayer_lowered  }
0x9c: {  	s22 =	simm.s32 $0x1BFF;
	s21 =	sshll.u32 s7, $0x1;
	s4 =	sadd.s32 s5, s19  }
0x9d: {  	s8 =	simm.s32 $0x0;
	s20 =	sshll.u32 s6, $0x1;
	s6 =	sadd.s32 s21, s4  }
0x9e: {  	[timem:s8], [sflag:s22] =	dma.local [hbm:s6], s20  }
0x9f: {  	_ =	swait.ge [sflag:s22], s20  }
0xa0: {  	s5 =	ssub.s32 $0x0, s20;
	[sflag:s22] =	ssyncset.done $0x0  }
0xa1: {  	[sflag:s22] =	ssyncadd.s32 s5;
	_ =	sdelay $0x1  }
0xa2: {  	s23 =	simm.s32 $0x1B8B  }
0xa3: {  	_ =	swait.ge [sflag:s23], $0x1  }
0xa4: {  	[sflag:s23] =	ssyncset.done $0x0  }
0xa5: {  	s25 =	simm.s32 $0x1B8E;
	s24 =	sld [smem:$0x3FFE];
	[sflag:s23] =	ssyncadd.s32 $0xFFFFFFFF  }
0xa6: {  	s26 =	simm.s32 $execute0_lowered;
	[smem:$0x3FD2] =	sst s25  }
0xa7: {  	s6 =	sshll.u32 s26, $0x1;
	_ =	strace $0x80000046;
	[dreg:$0x1] =	wrdreg $0xFFFFFFFF  }
0xa8: {  	s28 =	simm.s32 $_size_execute0_lowered;
	s4 =	sadd.s32 s4, s6;
	[dreg:$0x0] =	wrdreg $0x0  }
0xa9: {  	s6 =	sshll.u32 s28, $0x1;
	[dreg:$0x2] =	wrdreg s4  }
0xaa: {  	[dreg:$0x3] =	wrdreg s6  }
0xab: {  	[dreg:$0x4] =	wrdreg $0xC0  }
0xac: {  	_ =	task [dreg:s8], $0x5FFFF  }
0xad: {  	[dreg:$0x1] =	wrdreg $0xFFFFFFFF  }
0xae: {  	[dreg:$0x0] =	wrdreg $0x60  }
0xaf: {  	[dreg:$0x2] =	wrdreg s24  }
0xb0: {  	[dreg:$0x3] =	wrdreg s2  }
0xb1: {  	[dreg:$0x4] =	wrdreg s18  }
0xb2: {  	[dreg:$0x5] =	wrdreg $0x9  }
0xb3: {  	_ =	task.clear_ibuf [dreg:s8], $0x6FFFF;
	_ =	strace $0x90000046  }
0xb4: {  	s29 =	simm.s32 $0x9;
	_ =	strace $0x80000048  }
0xb5: {  	_ =	swait.ge [sflag:s29], $0x1  }
0xb6: {  	[sflag:s29] =	ssyncadd.s32 $0xFFFFFFFF  }
0xb7: {  	_ =	strace $0x90000048  }
0xb8: {  	_ =	sfence  }
0xb9: {  	s30 =	sld [smem:$0x0];
	_ =	sdelay $0x2  }
0xba: {  	s31 =	sshll.u32 s1, $0xD;
	s1 =	sshrl.u32 s1, $0x2  }
0xbb: {  	s3 =	sand.u32 $0x4000, s31;
	s1 =	sadd.s32 s1, s30  }
0xbc: {  	s0 =	sor.u32 s3, s0;
	s1 =	sshll.u32 s1, $0x11  }
0xbd: {  	s0 =	sor.u32 s1, s0  }
0xbe: {  	s0 =	sadd.s32 $0x8F2B, s0  }
0xbf: {  	[sflag:s0] =	ssyncadd.remote.s32 $0x1  }
0xc0: {  	_ =	sfence.sel $0xFFFF  }
0xc1: {  	[dreg:$0x0] =	wrdreg $0xFFFFFFFF;
	(pc) =	sbr.abs _section_cstart, $3  }
0xc2: {  	[dreg:$0x1] =	wrdreg $0xFFFFFFFF  }
0xc3: {  	_ =	task.clear_ibuf [dreg:s8], $0x2FFFF;
	_ =	strace $0x9FFFFFFF  }
0xc4: {  	(tm) =	ssettm $0x7FFFFFFF  }
0xc5: {  	_ =	shalt  }
tec
execute0_lowered:
.L_overlay_start_1:
0x0: {  	(tag) =	ssettag $0x1  }
0x1: {  	s5 =	rddreg [dreg:$0x0]  }
0x2: {  	s8 =	rddreg [dreg:$0x1]  }
0x3: {  	s7 =	rddreg [dreg:$0x2]  }
0x4: {  	s0 =	rddreg [dreg:$0x3]  }
0x5: {  	s3 =	srdreg.scid;
	s1 =	stileid.u32;
	s2 =	simm.s32 $0x0  }
0x6: {  	s15 =	simm.s32 $0xC80;
	s16 =	simm.s32 $0x4100;
	s17 =	simm.s32 $0x2D00  }
0x7: {  	s18 =	simm.s32 $0x5500;
	s19 =	simm.s32 $0x1;
	s20 =	simm.s32 $0x2  }
0x8: {  	s21 =	simm.s32 $0x6900;
	s22 =	simm.s32 $0x3;
	s23 =	simm.s32 $0x0  }
0x9: {  	s6 =	sand.u32 $0x1, s3;
	s28 =	sshll.u32 s1, $0x1;
	[smem:$0x7FF] =	sst s2  }
0xa: {  	s3 =	sadd.s32 $0x188600, s5;
	s4 =	sadd.s32 $0x24BC00, s5;
	s13 =	sor.u32 s6, s28  }
0xb: {  	_ =	strace $0x80000047;
	s29 =	ssub.s32 $0x2, s6;
	s9 =	smul.u32 $0xC80, s13  }
0xc: {  	s10 =	sshll.u32 s13, $0x1;
	s31 =	sshrl.u32 s29, $0x1;
	p0 =	seq.s32 s13, $0x1F  }
0xd: {  	s13 =	simm.s32 $0x50;
	s11 =	sadd.s32 s10, s5;
	s30 =	ssub.s32 $0x186A0, s9  }
0xe: {  	s14 =	ssub.s32 s29, s31;
	s9 =	sshrl.u32 s9, $0x3;
	s12 =	smulhi.u32 $0x3333334, s30  }
0xf: {  	s11 =	sadd.s32 $0x1C00, s11;
	s5 =	sadd.s32 s7, s9;
	s6 =	sadd.s32 s8, s9  }
0x10: {  	s7 =	sadd.s32 $0x3070, s7;
	s8 =	sadd.s32 $0x3070, s8;
	s9 =	smin.u32 s12, $0x28  }
0x11: {  	s12 =	smax.u32 s14, $0x1;
	s14 =	simm.s32 $0x1900;
	s10 =	sshrl.u32 s9, $0x1  }
.LBB2_1:
0x12: {  	s24 =	simm.s32 @p0 $0x0;
	s25 =	simm.s32 @p0 $0x3  }
0x13: {  	[tilespmem:s24], [sflag:$0x3] =	stream.linear.gather @p0 [hbm4b:s7+s24], $0x320, $0x38;
	[tilespmem:$0x6910] =	vst v63  }
0x14: {  	_ =	swait.ge @p0 [sflag:s25], $0x320  }
0x15: {  	[sflag:s25] =	ssyncset.done @p0 $0x0  }
0x16: {  	s26 =	simm.s32 @p0 $0xC80;
	[sflag:s25] =	ssyncadd.s32 @p0 $0xFFFFFCE0  }
0x17: {  	[tilespmem:s26], [sflag:$0x3] =	stream.linear.gather @p0 [hbm4b:s8+s24], $0x320, $0x38;
	[tilespmem:$0x6910] =	vst v63  }
0x18: {  	_ =	swait.ge @p0 [sflag:s25], $0x320  }
0x19: {  	[sflag:s25] =	ssyncset.done @p0 $0x0  }
0x1a: {  	s24 =	simm.s32 @!p0 $0x0;
	[sflag:s25] =	ssyncadd.s32 @p0 $0xFFFFFCE0;
	s25 =	simm.s32 @!p0 $0x3  }
0x1b: {  	[tilespmem:s24], [sflag:$0x3] =	stream.linear.gather @!p0 [hbm4b:s5+s24], $0xC80, $0x38;
	[tilespmem:$0x6910] =	vst v63  }
0x1c: {  	_ =	swait.ge @!p0 [sflag:s25], $0xC80  }
0x1d: {  	[sflag:s25] =	ssyncset.done @!p0 $0x0  }
0x1e: {  	s26 =	simm.s32 @!p0 $0xC80;
	[sflag:s25] =	ssyncadd.s32 @!p0 $0xFFFFF380  }
0x1f: {  	[tilespmem:s26], [sflag:$0x3] =	stream.linear.gather @!p0 [hbm4b:s6+s24], $0xC80, $0x38;
	[tilespmem:$0x6910] =	vst v63  }
0x20: {  	_ =	swait.ge @!p0 [sflag:s25], $0xC80  }
0x21: {  	[sflag:s25] =	ssyncset.done @!p0 $0x0  }
0x22: {  	[sflag:s25] =	ssyncadd.s32 @!p0 $0xFFFFF380  }
0x23: {  	[tilespmem:s14], [sflag:$0x1] =	stream.indirect.gather [hbm4b:s3+s13], $0x40, s2, s13, $0xb8;
	[tilespmem:$0x6910] =	vst v63  }
0x24: {  	v0 =	vimm.f32 $0.0e+00;
	s24 =	simm.s32 $0x0  }
0x25: {  	v1 =	vimm.f32 $0.0e+00;
	v2 =	vimm.f32 $0.0e+00;
	v3 =	vimm.f32 $0.0e+00;
	[tilespmem:s16], [sflag:$0x1] =	stream.indirect.gather [hbm4b:s4+s13], $0x40, s15, s13, $0xb8;
	[tilespmem:$0x6910] =	vst v63  }
.LBB2_2:
0x26: {  	s25 =	smul.u32 $0xA0, s24;
	_ =	sdelay $0x1  }
0x27: {  	s26 =	sadd.s32 $0x50, s25  }
0x28: {  	[tilespmem:s17], [sflag:$0x2] =	stream.indirect.gather [hbm4b:s3+s13], $0x40, s26, s13, $0xb8;
	[tilespmem:$0x6910] =	vst v63  }
0x29: {  	s25 =	sadd.s32 $0xCD0, s25  }
0x2a: {  	[tilespmem:s18], [sflag:$0x2] =	stream.indirect.gather [hbm4b:s4+s13], $0x40, s25, s13, $0xb8;
	[tilespmem:$0x6910] =	vst v63  }
0x2b: {  	_ =	swait.ge [sflag:s19], $0x1400  }
0x2c: {  	[sflag:s19] =	ssyncset.done $0x0  }
0x2d: {  	[sflag:s19] =	ssyncadd.s32 $0xFFFFEC00  }
0x2e: {  	_ =	swait.ge [sflag:s19], $0x1400  }
0x2f: {  	[sflag:s19] =	ssyncset.done $0x0  }
0x30: {  	s31 =	simm.s32 $0x1980;
	[sflag:s19] =	ssyncadd.s32 $0xFFFFEC00  }
0x31: {  	s25 =	simm.s32 $0x4180;
	v4 =	vld [tilespmem:s31+$0x40]  }
0x32: {  	v5 =	vld [tilespmem:s25+$0x40]  }
0x33: {  	v6 =	vld [tilespmem:s31+$0x50]  }
0x34: {  	v7 =	vld [tilespmem:s25+$0x50]  }
0x35: {  	v12 =	vld [tilespmem:s31+$0x60]  }
0x36: {  	v13 =	vld [tilespmem:s25+$0x60]  }
0x37: {  	v16 =	vld [tilespmem:s31+$0x70]  }
0x38: {  	v20 =	vld [tilespmem:s25+$0x70]  }
0x39: {  	v21 =	vld [tilespmem:s31+$0x0]  }
0x3a: {  	v22 =	vld [tilespmem:s25+$0x0]  }
0x3b: {  	v23 =	vld [tilespmem:s31+$0x10]  }
0x3c: {  	v24 =	vld [tilespmem:s25+$0x10]  }
0x3d: {  	v25 =	vld [tilespmem:s31+$0x20]  }
0x3e: {  	v26 =	vld [tilespmem:s25+$0x20]  }
0x3f: {  	v27 =	vld [tilespmem:s31+$0x30]  }
0x40: {  	v28 =	vld [tilespmem:s25+$0x30]  }
0x41: {  	v29 =	vld [tilespmem:s31+$0xFFFFFFC0]  }
0x42: {  	v30 =	vld [tilespmem:s25+$0xFFFFFFC0]  }
0x43: {  	v31 =	vld [tilespmem:s31+$0xFFFFFFD0]  }
0x44: {  	v32 =	vld [tilespmem:s25+$0xFFFFFFD0]  }
0x45: {  	v8 =	vld [tilespmem:s31+$0xFFFFFFE0]  }
0x46: {  	v9 =	vld [tilespmem:s25+$0xFFFFFFE0]  }
0x47: {  	v33 =	vld [tilespmem:s31+$0xFFFFFF80]  }
0x48: {  	v34 =	vld [tilespmem:s25+$0xFFFFFF80]  }
0x49: {  	v15 =	vld [tilespmem:s31+$0xFFFFFF90]  }
0x4a: {  	v17 =	vld [tilespmem:s25+$0xFFFFFF90]  }
0x4b: {  	v14 =	vld [tilespmem:s31+$0xFFFFFFA0];
	v10 =	vsub.f32 v4, v5  }
0x4c: {  	v18 =	vld [tilespmem:s25+$0xFFFFFFA0];
	v11 =	vsub.f32 v6, v7;
	v5 =	vsub.f32 v12, v13  }
0x4d: {  	v19 =	vld [tilespmem:s31+$0xFFFFFFB0];
	v12 =	vsub.f32 v21, v22;
	v4 =	vsub.f32 v16, v20  }
0x4e: {  	v21 =	vld [tilespmem:s25+$0xFFFFFFB0];
	v13 =	vsub.f32 v23, v24;
	v7 =	vsub.f32 v25, v26  }
0x4f: {  	v20 =	vsub.f32 v29, v30;
	v16 =	vld [tilespmem:s31+$0xFFFFFFF0];
	v6 =	vsub.f32 v27, v28  }
0x50: {  	s28 =	simm.s32 $0x1A80;
	s26 =	simm.s32 $0x0;
	v24 =	vsub.f32 v33, v34;
	v22 =	vsub.f32 v31, v32;
	v23 =	vld [tilespmem:s25+$0xFFFFFFF0]  }
.LBB2_3:
0x51: {  	v25 =	vld [tilespmem:s28+$0x40];
	v15 =	vsub.f32 v15, v17;
	v10 =	vmul.f32 v10, v10;
	v11 =	vmul.f32 v11, v11;
	s25 =	sadd.s32 $0x100, s25  }
0x52: {  	v14 =	vsub.f32 v14, v18;
	v12 =	vmul.f32 v12, v12;
	v13 =	vmul.f32 v13, v13;
	v26 =	vld [tilespmem:s25+$0x40]  }
0x53: {  	v18 =	vmul.f32 v20, v20;
	v27 =	vld [tilespmem:s28+$0x50];
	v17 =	vsub.f32 v19, v21;
	v19 =	vmul.f32 v22, v22  }
0x54: {  	v8 =	vsub.f32 v8, v9;
	v21 =	vmul.f32 v24, v24;
	v15 =	vmul.f32 v15, v15;
	v20 =	vld [tilespmem:s25+$0x50]  }
0x55: {  	v9 =	vmul.f32 v14, v14;
	v22 =	vld [tilespmem:s28+$0x60];
	v14 =	vmul.f32 v17, v17;
	v16 =	vsub.f32 v16, v23  }
0x56: {  	v8 =	vmul.f32 v8, v8;
	v3 =	vadd.f32 v21, v3;
	v2 =	vadd.f32 v15, v2;
	v23 =	vld [tilespmem:s25+$0x60]  }
0x57: {  	v1 =	vadd.f32 v9, v1;
	v21 =	vld [tilespmem:s28+$0x70];
	v0 =	vadd.f32 v14, v0;
	v9 =	vmul.f32 v16, v16  }
0x58: {  	v7 =	vmul.f32 v7, v7;
	v3 =	vadd.f32 v18, v3;
	v2 =	vadd.f32 v19, v2;
	v16 =	vld [tilespmem:s25+$0x70]  }
0x59: {  	v6 =	vmul.f32 v6, v6;
	v1 =	vadd.f32 v8, v1;
	v24 =	vld [tilespmem:s28+$0x0];
	v0 =	vadd.f32 v9, v0  }
0x5a: {  	v5 =	vmul.f32 v5, v5;
	v3 =	vadd.f32 v12, v3;
	v2 =	vadd.f32 v13, v2;
	v28 =	vld [tilespmem:s25+$0x0]  }
0x5b: {  	v4 =	vmul.f32 v4, v4;
	v1 =	vadd.f32 v7, v1;
	v13 =	vld [tilespmem:s28+$0x10];
	v0 =	vadd.f32 v6, v0  }
0x5c: {  	v3 =	vadd.f32 v10, v3;
	v2 =	vadd.f32 v11, v2;
	v6 =	vld [tilespmem:s25+$0x10]  }
0x5d: {  	v1 =	vadd.f32 v5, v1;
	v7 =	vld [tilespmem:s28+$0x20];
	v0 =	vadd.f32 v4, v0  }
0x5e: {  	v29 =	vld [tilespmem:s25+$0x20]  }
0x5f: {  	v30 =	vld [tilespmem:s28+$0x30]  }
0x60: {  	v31 =	vld [tilespmem:s25+$0x30]  }
0x61: {  	v32 =	vld [tilespmem:s28+$0xFFFFFFC0]  }
0x62: {  	v33 =	vld [tilespmem:s25+$0xFFFFFFC0]  }
0x63: {  	v34 =	vld [tilespmem:s28+$0xFFFFFFD0]  }
0x64: {  	v35 =	vld [tilespmem:s25+$0xFFFFFFD0]  }
0x65: {  	v8 =	vld [tilespmem:s28+$0xFFFFFFE0]  }
0x66: {  	v9 =	vld [tilespmem:s25+$0xFFFFFFE0]  }
0x67: {  	v36 =	vld [tilespmem:s28+$0xFFFFFF80]  }
0x68: {  	v37 =	vld [tilespmem:s25+$0xFFFFFF80]  }
0x69: {  	v15 =	vld [tilespmem:s28+$0xFFFFFF90]  }
0x6a: {  	s26 =	sadd.s32 $0x4, s26;
	v17 =	vld [tilespmem:s25+$0xFFFFFF90]  }
0x6b: {  	p1 =	slt.u32 s26, $0x4C;
	v10 =	vsub.f32 v25, v26;
	v14 =	vld [tilespmem:s28+$0xFFFFFFA0]  }
.Ltmp0:
0x6c: {  	v11 =	vsub.f32 v27, v20;
	v5 =	vsub.f32 v22, v23;
	v18 =	vld [tilespmem:s25+$0xFFFFFFA0];
	(pc) =	sbr.rel @p1 .LBB2_3-.Ltmp0, $4  }
0x6d: {  	v4 =	vsub.f32 v21, v16;
	v12 =	vsub.f32 v24, v28;
	v19 =	vld [tilespmem:s28+$0xFFFFFFB0]  }
0x6e: {  	v13 =	vsub.f32 v13, v6;
	v7 =	vsub.f32 v7, v29;
	v21 =	vld [tilespmem:s25+$0xFFFFFFB0]  }
0x6f: {  	v6 =	vsub.f32 v30, v31;
	v20 =	vsub.f32 v32, v33;
	v16 =	vld [tilespmem:s28+$0xFFFFFFF0]  }
0x70: {  	v22 =	vsub.f32 v34, v35;
	v24 =	vsub.f32 v36, v37;
	s28 =	sadd.s32 $0x100, s28;
	v23 =	vld [tilespmem:s25+$0xFFFFFFF0]  }
0x71: {  	s25 =	sshll.u32 s24, $0x1  }
0x72: {  	s25 =	sadd.s32 $0x2, s25  }
0x73: {  	p1 =	sge.u32 s25, s9  }
0x74: {  	s25 =	smul.u32 @!p1 $0x50, s25  }
0x75: {  	s26 =	simm.s32 @!p1 $0x50;
	s28 =	simm.s32 @!p1 $0x1900  }
0x76: {  	[tilespmem:s28], [sflag:$0x1] =	stream.indirect.gather @!p1 [hbm4b:s3+s26], $0x40, s25, s26, $0xb8;
	[tilespmem:$0x6910] =	vst v63  }
0x77: {  	s25 =	sadd.s32 @!p1 $0xC80, s25;
	s28 =	simm.s32 @!p1 $0x4100  }
0x78: {  	[tilespmem:s28], [sflag:$0x1] =	stream.indirect.gather @!p1 [hbm4b:s4+s26], $0x40, s25, s26, $0xb8;
	[tilespmem:$0x6910] =	vst v63  }
0x79: {  	_ =	swait.ge [sflag:s20], $0x1400  }
0x7a: {  	[sflag:s20] =	ssyncset.done $0x0  }
0x7b: {  	[sflag:s20] =	ssyncadd.s32 $0xFFFFEC00  }
0x7c: {  	_ =	swait.ge [sflag:s20], $0x1400  }
0x7d: {  	[sflag:s20] =	ssyncset.done $0x0  }
0x7e: {  	s31 =	simm.s32 $0x2D80;
	[sflag:s20] =	ssyncadd.s32 $0xFFFFEC00  }
0x7f: {  	s25 =	simm.s32 $0x5580;
	v25 =	vld [tilespmem:s31+$0x40]  }
0x80: {  	v26 =	vld [tilespmem:s25+$0x40]  }
0x81: {  	v27 =	vld [tilespmem:s31+$0x50]  }
0x82: {  	v28 =	vld [tilespmem:s25+$0x50]  }
0x83: {  	v29 =	vld [tilespmem:s31+$0x60]  }
0x84: {  	v30 =	vld [tilespmem:s25+$0x60]  }
0x85: {  	v31 =	vld [tilespmem:s31+$0x70]  }
0x86: {  	v32 =	vld [tilespmem:s25+$0x70]  }
0x87: {  	v33 =	vld [tilespmem:s31+$0x0]  }
0x88: {  	v34 =	vld [tilespmem:s25+$0x0]  }
0x89: {  	v35 =	vld [tilespmem:s31+$0x10]  }
0x8a: {  	v36 =	vld [tilespmem:s25+$0x10]  }
0x8b: {  	v37 =	vld [tilespmem:s31+$0x20]  }
0x8c: {  	v14 =	vsub.f32 v14, v18;
	v38 =	vld [tilespmem:s25+$0x20]  }
0x8d: {  	v15 =	vsub.f32 v15, v17;
	v8 =	vsub.f32 v8, v9;
	v18 =	vmul.f32 v24, v24;
	v24 =	vld [tilespmem:s31+$0x30]  }
0x8e: {  	v12 =	vmul.f32 v12, v12;
	v17 =	vsub.f32 v19, v21;
	v9 =	vmul.f32 v14, v14;
	v39 =	vld [tilespmem:s25+$0x30]  }
0x8f: {  	v13 =	vmul.f32 v13, v13;
	v15 =	vmul.f32 v15, v15;
	v14 =	vsub.f32 v16, v23;
	v23 =	vld [tilespmem:s31+$0xFFFFFFC0]  }
0x90: {  	v8 =	vmul.f32 v8, v8;
	v16 =	vmul.f32 v17, v17;
	v1 =	vadd.f32 v9, v1;
	v9 =	vld [tilespmem:s25+$0xFFFFFFC0]  }
0x91: {  	v3 =	vadd.f32 v18, v3;
	v2 =	vadd.f32 v15, v2;
	v15 =	vmul.f32 v20, v20;
	v20 =	vld [tilespmem:s31+$0xFFFFFFD0]  }
0x92: {  	v17 =	vmul.f32 v22, v22;
	v0 =	vadd.f32 v16, v0;
	v14 =	vmul.f32 v14, v14;
	v40 =	vld [tilespmem:s25+$0xFFFFFFD0]  }
0x93: {  	v10 =	vmul.f32 v10, v10;
	v3 =	vadd.f32 v15, v3;
	v1 =	vadd.f32 v8, v1;
	v8 =	vld [tilespmem:s31+$0xFFFFFFE0]  }
0x94: {  	v2 =	vadd.f32 v17, v2;
	v0 =	vadd.f32 v14, v0;
	v14 =	vmul.f32 v7, v7;
	v7 =	vld [tilespmem:s25+$0xFFFFFFE0]  }
0x95: {  	v6 =	vmul.f32 v6, v6;
	v11 =	vmul.f32 v11, v11;
	v3 =	vadd.f32 v12, v3;
	v41 =	vld [tilespmem:s31+$0xFFFFFF80]  }
0x96: {  	v5 =	vmul.f32 v5, v5;
	v2 =	vadd.f32 v13, v2;
	v12 =	vadd.f32 v14, v1;
	v42 =	vld [tilespmem:s25+$0xFFFFFF80]  }
0x97: {  	v4 =	vmul.f32 v4, v4;
	v6 =	vadd.f32 v6, v0;
	v1 =	vadd.f32 v10, v3;
	v10 =	vld [tilespmem:s31+$0xFFFFFF90]  }
0x98: {  	v3 =	vadd.f32 v11, v2;
	v0 =	vadd.f32 v5, v12;
	v14 =	vld [tilespmem:s25+$0xFFFFFF90]  }
0x99: {  	v2 =	vadd.f32 v4, v6;
	v11 =	vld [tilespmem:s31+$0xFFFFFFA0];
	v16 =	vsub.f32 v25, v26  }
0x9a: {  	v15 =	vld [tilespmem:s25+$0xFFFFFFA0];
	v18 =	vsub.f32 v27, v28;
	v5 =	vsub.f32 v29, v30  }
0x9b: {  	v13 =	vld [tilespmem:s31+$0xFFFFFFB0];
	v19 =	vsub.f32 v33, v34;
	v4 =	vsub.f32 v31, v32  }
0x9c: {  	v17 =	vld [tilespmem:s25+$0xFFFFFFB0];
	v21 =	vsub.f32 v35, v36;
	v6 =	vsub.f32 v37, v38  }
0x9d: {  	v12 =	vld [tilespmem:s31+$0xFFFFFFF0];
	v22 =	vsub.f32 v23, v9;
	v9 =	vsub.f32 v24, v39  }
0x9e: {  	s26 =	simm.s32 $0x0;
	s28 =	simm.s32 $0x2E80;
	v23 =	vsub.f32 v41, v42;
	v24 =	vsub.f32 v20, v40;
	v20 =	vld [tilespmem:s25+$0xFFFFFFF0]  }
.LBB2_5:
0x9f: {  	v25 =	vld [tilespmem:s28+$0x40];
	v10 =	vsub.f32 v10, v14;
	v14 =	vmul.f32 v16, v16;
	v16 =	vmul.f32 v18, v18;
	s25 =	sadd.s32 $0x100, s25  }
0xa0: {  	v11 =	vsub.f32 v11, v15;
	v15 =	vmul.f32 v19, v19;
	v19 =	vmul.f32 v21, v21;
	v18 =	vld [tilespmem:s25+$0x40]  }
0xa1: {  	v21 =	vld [tilespmem:s28+$0x50];
	v13 =	vsub.f32 v13, v17;
	v17 =	vmul.f32 v22, v22;
	v22 =	vmul.f32 v24, v24  }
0xa2: {  	v7 =	vsub.f32 v8, v7;
	v23 =	vmul.f32 v23, v23;
	v10 =	vmul.f32 v10, v10;
	v24 =	vld [tilespmem:s25+$0x50]  }
0xa3: {  	v8 =	vmul.f32 v11, v11;
	v26 =	vld [tilespmem:s28+$0x60];
	v11 =	vmul.f32 v13, v13;
	v12 =	vsub.f32 v12, v20  }
0xa4: {  	v7 =	vmul.f32 v7, v7;
	v1 =	vadd.f32 v23, v1;
	v3 =	vadd.f32 v10, v3;
	v13 =	vld [tilespmem:s25+$0x60]  }
0xa5: {  	v0 =	vadd.f32 v8, v0;
	v20 =	vld [tilespmem:s28+$0x70];
	v2 =	vadd.f32 v11, v2;
	v8 =	vmul.f32 v12, v12  }
0xa6: {  	v6 =	vmul.f32 v6, v6;
	v1 =	vadd.f32 v17, v1;
	v3 =	vadd.f32 v22, v3;
	v12 =	vld [tilespmem:s25+$0x70]  }
0xa7: {  	v0 =	vadd.f32 v7, v0;
	v7 =	vmul.f32 v9, v9;
	v17 =	vld [tilespmem:s28+$0x0];
	v2 =	vadd.f32 v8, v2  }
0xa8: {  	v5 =	vmul.f32 v5, v5;
	v1 =	vadd.f32 v15, v1;
	v3 =	vadd.f32 v19, v3;
	v9 =	vld [tilespmem:s25+$0x0]  }
0xa9: {  	v4 =	vmul.f32 v4, v4;
	v0 =	vadd.f32 v6, v0;
	v22 =	vld [tilespmem:s28+$0x10];
	v2 =	vadd.f32 v7, v2  }
0xaa: {  	v1 =	vadd.f32 v14, v1;
	v3 =	vadd.f32 v16, v3;
	v6 =	vld [tilespmem:s25+$0x10]  }
0xab: {  	v0 =	vadd.f32 v5, v0;
	v23 =	vld [tilespmem:s28+$0x20];
	v2 =	vadd.f32 v4, v2  }
0xac: {  	v27 =	vld [tilespmem:s25+$0x20]  }
0xad: {  	v28 =	vld [tilespmem:s28+$0x30]  }
0xae: {  	v29 =	vld [tilespmem:s25+$0x30]  }
0xaf: {  	v30 =	vld [tilespmem:s28+$0xFFFFFFC0]  }
0xb0: {  	v31 =	vld [tilespmem:s25+$0xFFFFFFC0]  }
0xb1: {  	v32 =	vld [tilespmem:s28+$0xFFFFFFD0]  }
0xb2: {  	v33 =	vld [tilespmem:s25+$0xFFFFFFD0]  }
0xb3: {  	v8 =	vld [tilespmem:s28+$0xFFFFFFE0]  }
0xb4: {  	v7 =	vld [tilespmem:s25+$0xFFFFFFE0]  }
0xb5: {  	v34 =	vld [tilespmem:s28+$0xFFFFFF80]  }
0xb6: {  	v35 =	vld [tilespmem:s25+$0xFFFFFF80]  }
0xb7: {  	v10 =	vld [tilespmem:s28+$0xFFFFFF90]  }
0xb8: {  	s26 =	sadd.s32 $0x4, s26;
	v14 =	vld [tilespmem:s25+$0xFFFFFF90]  }
0xb9: {  	p1 =	slt.u32 s26, $0x4C;
	v16 =	vsub.f32 v25, v18;
	v11 =	vld [tilespmem:s28+$0xFFFFFFA0]  }
.Ltmp1:
0xba: {  	v18 =	vsub.f32 v21, v24;
	v5 =	vsub.f32 v26, v13;
	v15 =	vld [tilespmem:s25+$0xFFFFFFA0];
	(pc) =	sbr.rel @p1 .LBB2_5-.Ltmp1, $4  }
0xbb: {  	v4 =	vsub.f32 v20, v12;
	v19 =	vsub.f32 v17, v9;
	v13 =	vld [tilespmem:s28+$0xFFFFFFB0]  }
0xbc: {  	v21 =	vsub.f32 v22, v6;
	v6 =	vsub.f32 v23, v27;
	v17 =	vld [tilespmem:s25+$0xFFFFFFB0]  }
0xbd: {  	v9 =	vsub.f32 v28, v29;
	v22 =	vsub.f32 v30, v31;
	v12 =	vld [tilespmem:s28+$0xFFFFFFF0]  }
0xbe: {  	v24 =	vsub.f32 v32, v33;
	v23 =	vsub.f32 v34, v35;
	s28 =	sadd.s32 $0x100, s28;
	v20 =	vld [tilespmem:s25+$0xFFFFFFF0]  }
0xbf: {  	v10 =	vsub.f32 v10, v14;
	v51 =	vmul.f32 v16, v16;
	v52 =	vmul.f32 v18, v18  }
0xc0: {  	v11 =	vsub.f32 v11, v15;
	v53 =	vmul.f32 v19, v19;
	v54 =	vmul.f32 v21, v21  }
0xc1: {  	v55 =	vmul.f32 v22, v22;
	v56 =	vmul.f32 v24, v24;
	v13 =	vsub.f32 v13, v17  }
0xc2: {  	v7 =	vsub.f32 v8, v7;
	v57 =	vmul.f32 v23, v23;
	v10 =	vmul.f32 v10, v10  }
0xc3: {  	v58 =	vmul.f32 v11, v11;
	v59 =	vmul.f32 v13, v13;
	v12 =	vsub.f32 v12, v20  }
0xc4: {  	v7 =	vmul.f32 v7, v7;
	v1 =	vadd.f32 v57, v1;
	v3 =	vadd.f32 v10, v3  }
0xc5: {  	s24 =	sadd.s32 $0x1, s24;
	v0 =	vadd.f32 v58, v0;
	v2 =	vadd.f32 v59, v2;
	v60 =	vmul.f32 v12, v12  }
0xc6: {  	v6 =	vmul.f32 v6, v6;
	p1 =	sne.s32 s24, s10;
	v1 =	vadd.f32 v55, v1;
	v3 =	vadd.f32 v56, v3  }
.Ltmp2:
0xc7: {  	v61 =	vmul.f32 v9, v9;
	v0 =	vadd.f32 v7, v0;
	v2 =	vadd.f32 v60, v2;
	(pc) =	sbr.rel @p1 .LBB2_2-.Ltmp2, $4  }
0xc8: {  	v5 =	vmul.f32 v5, v5;
	v1 =	vadd.f32 v53, v1;
	v62 =	vadd.f32 v54, v3  }
0xc9: {  	v4 =	vmul.f32 v4, v4;
	v0 =	vadd.f32 v6, v0;
	v63 =	vadd.f32 v61, v2  }
0xca: {  	v3 =	vadd.f32 v51, v1;
	v2 =	vadd.f32 v52, v62  }
0xcb: {  	v1 =	vadd.f32 v5, v0;
	v0 =	vadd.f32 v4, v63  }
0xcc: {  	_ = 	snop  }
0xcd: {  	v2 =	vadd.f32 v2, v3;
	v0 =	vadd.f32 v0, v1;
	_ =	sdelay $0x1  }
0xce: {  	s23 =	sadd.s32 $0x1, s23;
	v0 =	vadd.f32 v0, v2  }
0xcf: {  	p1 =	sne.s32 s23, s12  }
.Ltmp3:
0xd0: {  	[tilespmem:$0x6900] =	vst v0;
	(pc) =	sbr.rel @p1 .LBB2_1-.Ltmp3, $4  }
0xd1: {  	[hbm4b:s11+s2] =	stream.linear.scatter [tilespmem:s21], [sflag:$0x3], $0x10, $0x38;
	[tilespmem:$0x6910] =	vst v63  }
0xd2: {  	_ =	swait.ge [sflag:s22], $0x10  }
0xd3: {  	[sflag:s22] =	ssyncset.done $0x0  }
0xd4: {  	[sflag:s22] =	ssyncadd.s32 $0xFFFFFFF0  }
0xd5: {  	_ =	sfence.sel $0x180000  }
0xd6: {  	[bflag:$0x0] =	sbarrier.arrive $0xFFFF  }
0xd7: {  	p0 =	sne.s32 s1, $0x0;
	_ =	strace $0x90000047  }
0xd8: {  	s0 =	sadd.s32 @!p0 $0x100000, s0;
	[bflag:$0x2] =	sbarrier.arrive $0xFFFF  }
0xd9: {  	[sflag:s0] =	ssyncadd.tile.s32 @!p0 $0x1;
	_ =	shalt  }
.Lfunc_end2:
_tile_overlayer_lowered:
.L_overlay_start_2:
0xda: {  	(tag) =	ssettag $0x2  }
0xdb: {  	s0 =	rddreg [dreg:$0x0];
	s2 =	stileid.u32  }
0xdc: {  	s1 =	rddreg [dreg:$0x1];
	p0 =	sne.s32 s2, $0x0  }
0xdd: {  	s3 =	rddreg [dreg:$0x2];
	[bflag:$0x3] =	sbarrier.arrive $0xFFFF;
	s2 =	simm.s32 @!p0 $0x1C03  }
0xde: {  	[timem:s3], [sflag:s2] =	dma.local @!p0 [hbm:s0], s1  }
0xdf: {  	s0 =	simm.s32 @!p0 $0x3  }
0xe0: {  	_ =	swait.ge @!p0 [sflag:s0], s1  }
0xe1: {  	s1 =	ssub.s32 @!p0 $0x0, s1;
	[sflag:s0] =	ssyncset.done @!p0 $0x0  }
0xe2: {  	[sflag:s0] =	ssyncadd.s32 @!p0 s1  }
0xe3: {  	[bflag:$0x3] =	sbarrier.arrive $0xFFFF  }
0xe4: {  	_ =	shalt  }

</sc_bundles>
